<compile_context>
chip_gen: v7x
topology: tpu7x:2x2x1
jax: 0.10.2.dev20260603
libtpu: 0.0.44.dev20260713+nightly
codegen_flags: <defaults>
</compile_context>

<pallas_src>
import functools

import jax
import jax.numpy as jnp
from jax import lax
from jax.experimental import pallas as pl
from jax.experimental.pallas import tpu as pltpu
from jax.experimental.pallas import tpu_sc as plsc

VOCAB = 1000000
EMBED_DIM = 64

try:
    _INFO = plsc.get_sparse_core_info()
    _NC = _INFO.num_cores
    _NS = _INFO.num_subcores
except Exception:
    _NC, _NS = 2, 16
_NW = _NC * _NS

_LANES = 128


def _make_gather(n_units: int, seq: int, batch: int):
    mesh = plsc.VectorSubcoreMesh(core_axis_name="c", subcore_axis_name="s")
    u_per_w = n_units // _NW

    @functools.partial(
        pl.kernel,
        out_type=jax.ShapeDtypeStruct((seq, EMBED_DIM, batch), jnp.float32),
        mesh=mesh,
        scratch_types=[
            pltpu.VMEM((u_per_w, _LANES), jnp.int32),
            pltpu.VMEM((u_per_w, _LANES), jnp.int32),
            pltpu.VMEM((3, _LANES, 2 * EMBED_DIM), jnp.float32),
            pltpu.VMEM((2, EMBED_DIM, _LANES), jnp.float32),
            pltpu.SemaphoreType.DMA((2,)),
            pltpu.SemaphoreType.DMA((2,)),
        ],
        compiler_params=pltpu.CompilerParams(use_tc_tiling_on_sc=True,
                                             needs_layout_passes=False),
    )
    def gather_kernel(rows_hbm, half_hbm, table_hbm, out_hbm, rows_v, half_v,
                      gbuf, tbuf, sem_g, sem_w):
        wid = lax.axis_index("s") * _NC + lax.axis_index("c")
        ubase = wid * u_per_w
        pltpu.sync_copy(rows_hbm.at[pl.ds(ubase, u_per_w)], rows_v)
        pltpu.sync_copy(half_hbm.at[pl.ds(ubase, u_per_w)], half_v)

        rvs = [lax.iota(jnp.int32, 16) + 16 * g for g in range(8)]

        def g_copy(u, b):
            return pltpu.make_async_copy(table_hbm.at[rows_v.at[u]],
                                         gbuf.at[b], sem_g.at[b])

        def w_copy(u, b):
            gu = ubase + u
            s = gu // (batch // _LANES)
            bc = gu % (batch // _LANES)
            return pltpu.make_async_copy(
                tbuf.at[b], out_hbm.at[s, :, pl.ds(bc * _LANES, _LANES)],
                sem_w.at[b])

        g_copy(0, 0).start()
        g_copy(1, 1).start()

        def unit_body(u, carry):
            bg = lax.rem(u, 3)
            bt = lax.rem(u, 2)

            @pl.when(u + 2 < u_per_w)
            def _():
                g_copy(u + 2, lax.rem(u + 2, 3)).start()

            g_copy(u, bg).wait()

            @pl.when(u >= 2)
            def _():
                w_copy(u - 2, bt).wait()

            cvs = [half_v[u, pl.ds(16 * g, 16)] for g in range(8)]

            @plsc.parallel_loop(0, EMBED_DIM, unroll=8)
            def _(j):
                for g in range(8):
                    vals = plsc.load_gather(gbuf.at[bg], [rvs[g], cvs[g] + j])
                    tbuf[bt, j, pl.ds(16 * g, 16)] = vals

            w_copy(u, bt).start()
            return carry

        lax.fori_loop(0, u_per_w, unit_body, 0)
        w_copy(u_per_w - 2, 0).wait()
        w_copy(u_per_w - 1, 1).wait()

    return gather_kernel


def kernel(tokens, weight):
    b, s = tokens.shape
    assert b % _LANES == 0
    n_units = s * (b // _LANES)
    tok = tokens.astype(jnp.int32).T.reshape(n_units, _LANES)
    rows = tok >> 1
    half = (tok & 1) * EMBED_DIM
    table = weight.reshape(VOCAB // 2, 2 * EMBED_DIM)
    out = _make_gather(n_units, s, b)(rows, half, table)
    return jnp.transpose(out, (2, 0, 1))

# --- scband reference (transcript-rebuilt; emitter-appended) ---
"""Pipeline reference for scband-parallel-embed-59751585022218 (READ-ONLY COPY).

The authoritative reference and input builder live on the scoring server;
editing this copy changes nothing except your own understanding.
"""

import jax, jax.numpy as jnp
import numpy as np

VOCAB = 1000000
EMBED_DIM = 64

def setup_inputs(seed: int = 0) -> dict:
    key = jax.random.key(seed)
    k1, k2 = jax.random.split(key)
    tokens = jax.random.randint(k1, (16384, 50), 0, VOCAB, dtype=jnp.int64 if jax.config.jax_enable_x64 else jnp.int32)
    weight = jax.random.normal(k2, (VOCAB, EMBED_DIM), dtype=jnp.float32) * 0.02
    return {"tokens": tokens, "weight": weight}

def reference(tokens, weight):
    # Single-device path of ParallelEmbed (tp_size == 1): plain embedding lookup
    embed = jnp.take(weight, tokens, axis=0)
    return embed

if __name__ == "__main__":
    import jax
    _d = setup_inputs()
    print(jax.jit(kernel)(*tuple(_d.values())))

</pallas_src>

<mosaic_0001>
#map = affine_map<(d0, d1) -> (0, 0)>
#map1 = affine_map<(d0, d1) -> (0, 0, 0)>
module attributes {stable_mosaic.version = 14 : i64} {
  func.func @gather_kernel(%arg0: i32, %arg1: i32, %arg2: memref<6400x128xi32, #tpu.memory_space<hbm>>, %arg3: memref<6400x128xi32, #tpu.memory_space<hbm>>, %arg4: memref<500000x128xf32, #tpu.memory_space<hbm>>, %arg5: memref<50x64x16384xf32, #tpu.memory_space<hbm>>, %arg6: memref<200x128xi32, #tpu.memory_space<vmem>>, %arg7: memref<200x128xi32, #tpu.memory_space<vmem>>, %arg8: memref<3x128x128xf32, #tpu.memory_space<vmem>>, %arg9: memref<2x64x128xf32, #tpu.memory_space<vmem>>, %arg10: memref<2x!tpu.dma_semaphore, #tpu.memory_space<semaphore_mem>>, %arg11: memref<2x!tpu.dma_semaphore, #tpu.memory_space<semaphore_mem>>) attributes {dimension_semantics = [#tpu.dimension_semantics<core_parallel>, #tpu.dimension_semantics<subcore_parallel>], iteration_bounds = array<i64: 2, 16>, scalar_prefetch = 0 : i64, scratch_operands = 6 : i64, tpu.core_type = #tpu.core_type<sc_vector_subcore>, window_params = [{transform_indices = #map}, {transform_indices = #map}, {transform_indices = #map}, {transform_indices = #map1}]} {
    %mul3A = arith.constant 2 : i32
    %mul3A_0 = arith.muli %arg1, %mul3A : i32
    %add3A = arith.addi %mul3A_0, %arg0 : i32
    %mul3A_1 = arith.constant 200 : i32
    %mul3A_2 = arith.muli %add3A, %mul3A_1 : i32
    "tpu.region"() ({
      %run_scoped3A = tpu.sem_alloc : memref<!tpu.dma_semaphore, #tpu.memory_space<semaphore_mem>>
      %dma_start3A_181 = arith.constant 0 : i32
      %dma_start3A_182 = tpu.memref_slice %arg2[%mul3A_2, %dma_start3A_181] : memref<6400x128xi32, #tpu.memory_space<hbm>> -> memref<200x128xi32, #tpu.memory_space<hbm>>
      %dma_start3A_183 = arith.constant 0 : i32
      %dma_start3A_184 = tpu.memref_slice %arg2[%mul3A_2, %dma_start3A_183] : memref<6400x128xi32, #tpu.memory_space<hbm>> -> memref<200x128xi32, #tpu.memory_space<hbm>>
      tpu.enqueue_dma source(%dma_start3A_184 : memref<200x128xi32, #tpu.memory_space<hbm>>) target(%arg6 : memref<200x128xi32, #tpu.memory_space<vmem>>) target_semaphore(%run_scoped3A : memref<!tpu.dma_semaphore, #tpu.memory_space<semaphore_mem>>)
      %dma_wait3A_185 = arith.constant 0 : i32
      %dma_wait3A_186 = tpu.memref_slice %arg2[%mul3A_2, %dma_wait3A_185] : memref<6400x128xi32, #tpu.memory_space<hbm>> -> memref<200x128xi32, #tpu.memory_space<hbm>>
      %dma_wait3A_187 = arith.constant 0 : i32
      %dma_wait3A_188 = tpu.memref_slice %arg2[%mul3A_2, %dma_wait3A_187] : memref<6400x128xi32, #tpu.memory_space<hbm>> -> memref<200x128xi32, #tpu.memory_space<hbm>>
      tpu.wait_dma2 semaphore(%run_scoped3A : memref<!tpu.dma_semaphore, #tpu.memory_space<semaphore_mem>>) src(%dma_wait3A_188 : memref<200x128xi32, #tpu.memory_space<hbm>>) dst(%arg6 : memref<200x128xi32, #tpu.memory_space<vmem>>)
      tpu.yield
    }) : () -> ()
    "tpu.region"() ({
      %run_scoped3A = tpu.sem_alloc : memref<!tpu.dma_semaphore, #tpu.memory_space<semaphore_mem>>
      %dma_start3A_181 = arith.constant 0 : i32
      %dma_start3A_182 = tpu.memref_slice %arg3[%mul3A_2, %dma_start3A_181] : memref<6400x128xi32, #tpu.memory_space<hbm>> -> memref<200x128xi32, #tpu.memory_space<hbm>>
      %dma_start3A_183 = arith.constant 0 : i32
      %dma_start3A_184 = tpu.memref_slice %arg3[%mul3A_2, %dma_start3A_183] : memref<6400x128xi32, #tpu.memory_space<hbm>> -> memref<200x128xi32, #tpu.memory_space<hbm>>
      tpu.enqueue_dma source(%dma_start3A_184 : memref<200x128xi32, #tpu.memory_space<hbm>>) target(%arg7 : memref<200x128xi32, #tpu.memory_space<vmem>>) target_semaphore(%run_scoped3A : memref<!tpu.dma_semaphore, #tpu.memory_space<semaphore_mem>>)
      %dma_wait3A_185 = arith.constant 0 : i32
      %dma_wait3A_186 = tpu.memref_slice %arg3[%mul3A_2, %dma_wait3A_185] : memref<6400x128xi32, #tpu.memory_space<hbm>> -> memref<200x128xi32, #tpu.memory_space<hbm>>
      %dma_wait3A_187 = arith.constant 0 : i32
      %dma_wait3A_188 = tpu.memref_slice %arg3[%mul3A_2, %dma_wait3A_187] : memref<6400x128xi32, #tpu.memory_space<hbm>> -> memref<200x128xi32, #tpu.memory_space<hbm>>
      tpu.wait_dma2 semaphore(%run_scoped3A : memref<!tpu.dma_semaphore, #tpu.memory_space<semaphore_mem>>) src(%dma_wait3A_188 : memref<200x128xi32, #tpu.memory_space<hbm>>) dst(%arg7 : memref<200x128xi32, #tpu.memory_space<vmem>>)
      tpu.yield
    }) : () -> ()
    %iota3A = tpu.iota {dimensions = array<i32: 0>} : vector<16xi32>
    %add3A_3 = arith.constant 0 : i32
    %add3A_4 = vector.broadcast %add3A_3 : i32 to vector<16xi32>
    %add3A_5 = arith.addi %iota3A, %add3A_4 : vector<16xi32>
    %iota3A_6 = tpu.iota {dimensions = array<i32: 0>} : vector<16xi32>
    %add3A_7 = arith.constant 16 : i32
    %add3A_8 = vector.broadcast %add3A_7 : i32 to vector<16xi32>
    %add3A_9 = arith.addi %iota3A_6, %add3A_8 : vector<16xi32>
    %iota3A_10 = tpu.iota {dimensions = array<i32: 0>} : vector<16xi32>
    %add3A_11 = arith.constant 32 : i32
    %add3A_12 = vector.broadcast %add3A_11 : i32 to vector<16xi32>
    %add3A_13 = arith.addi %iota3A_10, %add3A_12 : vector<16xi32>
    %iota3A_14 = tpu.iota {dimensions = array<i32: 0>} : vector<16xi32>
    %add3A_15 = arith.constant 48 : i32
    %add3A_16 = vector.broadcast %add3A_15 : i32 to vector<16xi32>
    %add3A_17 = arith.addi %iota3A_14, %add3A_16 : vector<16xi32>
    %iota3A_18 = tpu.iota {dimensions = array<i32: 0>} : vector<16xi32>
    %add3A_19 = arith.constant 64 : i32
    %add3A_20 = vector.broadcast %add3A_19 : i32 to vector<16xi32>
    %add3A_21 = arith.addi %iota3A_18, %add3A_20 : vector<16xi32>
    %iota3A_22 = tpu.iota {dimensions = array<i32: 0>} : vector<16xi32>
    %add3A_23 = arith.constant 80 : i32
    %add3A_24 = vector.broadcast %add3A_23 : i32 to vector<16xi32>
    %add3A_25 = arith.addi %iota3A_22, %add3A_24 : vector<16xi32>
    %iota3A_26 = tpu.iota {dimensions = array<i32: 0>} : vector<16xi32>
    %add3A_27 = arith.constant 96 : i32
    %add3A_28 = vector.broadcast %add3A_27 : i32 to vector<16xi32>
    %add3A_29 = arith.addi %iota3A_26, %add3A_28 : vector<16xi32>
    %iota3A_30 = tpu.iota {dimensions = array<i32: 0>} : vector<16xi32>
    %add3A_31 = arith.constant 112 : i32
    %add3A_32 = vector.broadcast %add3A_31 : i32 to vector<16xi32>
    %add3A_33 = arith.addi %iota3A_30, %add3A_32 : vector<16xi32>
    %dma_start3A = arith.constant 0 : i32
    %dma_start3A_34 = arith.constant 0 : i32
    %dma_start3A_35 = arith.constant 0 : i32
    %dma_start3A_36 = arith.constant 0 : i32
    %dma_start3A_37 = arith.constant 0 : i32
    %dma_start3A_38 = tpu.memref_slice %arg8[%dma_start3A_34, %dma_start3A_36, %dma_start3A_37] : memref<3x128x128xf32, #tpu.memory_space<vmem>> -> memref<1x128x128xf32, #tpu.memory_space<vmem>>
    %dma_start3A_39 = tpu.memref_squeeze %dma_start3A_38 : memref<1x128x128xf32, #tpu.memory_space<vmem>> -> memref<128x128xf32, #tpu.memory_space<vmem>>
    %dma_start3A_40 = arith.constant 0 : i32
    %dma_start3A_41 = tpu.memref_slice %arg6[%dma_start3A, %dma_start3A_40] : memref<200x128xi32, #tpu.memory_space<vmem>> -> memref<1x128xi32, #tpu.memory_space<vmem>>
    %dma_start3A_42 = tpu.memref_squeeze %dma_start3A_41 : memref<1x128xi32, #tpu.memory_space<vmem>> -> memref<128xi32, #tpu.memory_space<vmem>>
    %dma_start3A_43 = arith.constant 0 : i32
    %dma_start3A_44 = arith.constant 0 : i32
    %dma_start3A_45 = tpu.memref_slice %arg4[%dma_start3A_43, %dma_start3A_44] : memref<500000x128xf32, #tpu.memory_space<hbm>> -> memref<500000x128xf32, #tpu.memory_space<hbm>>
    %dma_start3A_46 = tpu.memref_slice %arg10[%dma_start3A_35] : memref<2x!tpu.dma_semaphore, #tpu.memory_space<semaphore_mem>> -> memref<1x!tpu.dma_semaphore, #tpu.memory_space<semaphore_mem>>
    %dma_start3A_47 = tpu.memref_squeeze %dma_start3A_46 : memref<1x!tpu.dma_semaphore, #tpu.memory_space<semaphore_mem>> -> memref<!tpu.dma_semaphore, #tpu.memory_space<semaphore_mem>>
    tpu.enqueue_indirect_dma source(%dma_start3A_45 : memref<500000x128xf32, #tpu.memory_space<hbm>>) target(%dma_start3A_39 : memref<128x128xf32, #tpu.memory_space<vmem>>) offsets(%dma_start3A_42 : memref<128xi32, #tpu.memory_space<vmem>>) semaphore(%dma_start3A_47 : memref<!tpu.dma_semaphore, #tpu.memory_space<semaphore_mem>>)
    %dma_start3A_48 = arith.constant 1 : i32
    %dma_start3A_49 = arith.constant 1 : i32
    %dma_start3A_50 = arith.constant 1 : i32
    %dma_start3A_51 = arith.constant 0 : i32
    %dma_start3A_52 = arith.constant 0 : i32
    %dma_start3A_53 = tpu.memref_slice %arg8[%dma_start3A_49, %dma_start3A_51, %dma_start3A_52] : memref<3x128x128xf32, #tpu.memory_space<vmem>> -> memref<1x128x128xf32, #tpu.memory_space<vmem>>
    %dma_start3A_54 = tpu.memref_squeeze %dma_start3A_53 : memref<1x128x128xf32, #tpu.memory_space<vmem>> -> memref<128x128xf32, #tpu.memory_space<vmem>>
    %dma_start3A_55 = arith.constant 0 : i32
    %dma_start3A_56 = tpu.memref_slice %arg6[%dma_start3A_48, %dma_start3A_55] : memref<200x128xi32, #tpu.memory_space<vmem>> -> memref<1x128xi32, #tpu.memory_space<vmem>>
    %dma_start3A_57 = tpu.memref_squeeze %dma_start3A_56 : memref<1x128xi32, #tpu.memory_space<vmem>> -> memref<128xi32, #tpu.memory_space<vmem>>
    %dma_start3A_58 = arith.constant 0 : i32
    %dma_start3A_59 = arith.constant 0 : i32
    %dma_start3A_60 = tpu.memref_slice %arg4[%dma_start3A_58, %dma_start3A_59] : memref<500000x128xf32, #tpu.memory_space<hbm>> -> memref<500000x128xf32, #tpu.memory_space<hbm>>
    %dma_start3A_61 = tpu.memref_slice %arg10[%dma_start3A_50] : memref<2x!tpu.dma_semaphore, #tpu.memory_space<semaphore_mem>> -> memref<1x!tpu.dma_semaphore, #tpu.memory_space<semaphore_mem>>
    %dma_start3A_62 = tpu.memref_squeeze %dma_start3A_61 : memref<1x!tpu.dma_semaphore, #tpu.memory_space<semaphore_mem>> -> memref<!tpu.dma_semaphore, #tpu.memory_space<semaphore_mem>>
    tpu.enqueue_indirect_dma source(%dma_start3A_60 : memref<500000x128xf32, #tpu.memory_space<hbm>>) target(%dma_start3A_54 : memref<128x128xf32, #tpu.memory_space<vmem>>) offsets(%dma_start3A_57 : memref<128xi32, #tpu.memory_space<vmem>>) semaphore(%dma_start3A_62 : memref<!tpu.dma_semaphore, #tpu.memory_space<semaphore_mem>>)
    %scan3A = arith.constant 0 : i32
    %scan3A_63 = arith.constant 0 : i32
    %scan3A_64 = arith.constant 200 : i32
    %scan3A_65 = arith.addi %scan3A_63, %scan3A_64 : i32
    %scan3A_66 = arith.constant 1 : i32
    scf.for %scan3A_181 = %scan3A_63 to %scan3A_65 step %scan3A_66  : i32 {
      %rem3A_182 = arith.constant 3 : i32
      %rem3A_183 = arith.remsi %scan3A_181, %rem3A_182 : i32
      %rem3A_184 = arith.constant 2 : i32
      %rem3A_185 = arith.remsi %scan3A_181, %rem3A_184 : i32
      %add3A_186 = arith.constant 2 : i32
      %add3A_187 = arith.addi %scan3A_181, %add3A_186 : i32
      %lt3A_188 = arith.constant 200 : i32
      %lt3A_189 = arith.cmpi slt, %add3A_187, %lt3A_188 : i32
      %convert_element_type3A = arith.extui %lt3A_189 : i1 to i32
      %cond3A = arith.constant 0 : i32
      %cond3A_190 = arith.cmpi ne, %convert_element_type3A, %cond3A : i32
      scf.if %cond3A_190 {
        %add3A_291 = arith.constant 2 : i32
        %add3A_292 = arith.addi %scan3A_181, %add3A_291 : i32
        %add3A_293 = arith.constant 2 : i32
        %add3A_294 = arith.addi %scan3A_181, %add3A_293 : i32
        %rem3A_295 = arith.constant 3 : i32
        %rem3A_296 = arith.remsi %add3A_294, %rem3A_295 : i32
        %dma_start3A_297 = arith.constant 0 : i32
        %dma_start3A_298 = arith.constant 0 : i32
        %dma_start3A_299 = tpu.memref_slice %arg8[%rem3A_296, %dma_start3A_297, %dma_start3A_298] : memref<3x128x128xf32, #tpu.memory_space<vmem>> -> memref<1x128x128xf32, #tpu.memory_space<vmem>>
        %dma_start3A_300 = tpu.memref_squeeze %dma_start3A_299 : memref<1x128x128xf32, #tpu.memory_space<vmem>> -> memref<128x128xf32, #tpu.memory_space<vmem>>
        %dma_start3A_301 = arith.constant 0 : i32
        %dma_start3A_302 = tpu.memref_slice %arg6[%add3A_292, %dma_start3A_301] : memref<200x128xi32, #tpu.memory_space<vmem>> -> memref<1x128xi32, #tpu.memory_space<vmem>>
        %dma_start3A_303 = tpu.memref_squeeze %dma_start3A_302 : memref<1x128xi32, #tpu.memory_space<vmem>> -> memref<128xi32, #tpu.memory_space<vmem>>
        %dma_start3A_304 = arith.constant 0 : i32
        %dma_start3A_305 = arith.constant 0 : i32
        %dma_start3A_306 = tpu.memref_slice %arg4[%dma_start3A_304, %dma_start3A_305] : memref<500000x128xf32, #tpu.memory_space<hbm>> -> memref<500000x128xf32, #tpu.memory_space<hbm>>
        %dma_start3A_307 = tpu.memref_slice %arg10[%rem3A_296] : memref<2x!tpu.dma_semaphore, #tpu.memory_space<semaphore_mem>> -> memref<1x!tpu.dma_semaphore, #tpu.memory_space<semaphore_mem>>
        %dma_start3A_308 = tpu.memref_squeeze %dma_start3A_307 : memref<1x!tpu.dma_semaphore, #tpu.memory_space<semaphore_mem>> -> memref<!tpu.dma_semaphore, #tpu.memory_space<semaphore_mem>>
        tpu.enqueue_indirect_dma source(%dma_start3A_306 : memref<500000x128xf32, #tpu.memory_space<hbm>>) target(%dma_start3A_300 : memref<128x128xf32, #tpu.memory_space<vmem>>) offsets(%dma_start3A_303 : memref<128xi32, #tpu.memory_space<vmem>>) semaphore(%dma_start3A_308 : memref<!tpu.dma_semaphore, #tpu.memory_space<semaphore_mem>>)
      } else {
      }
      %dma_wait3A_191 = arith.constant 0 : i32
      %dma_wait3A_192 = arith.constant 0 : i32
      %dma_wait3A_193 = tpu.memref_slice %arg8[%rem3A_183, %dma_wait3A_191, %dma_wait3A_192] : memref<3x128x128xf32, #tpu.memory_space<vmem>> -> memref<1x128x128xf32, #tpu.memory_space<vmem>>
      %dma_wait3A_194 = tpu.memref_squeeze %dma_wait3A_193 : memref<1x128x128xf32, #tpu.memory_space<vmem>> -> memref<128x128xf32, #tpu.memory_space<vmem>>
      %dma_wait3A_195 = arith.constant 0 : i32
      %dma_wait3A_196 = tpu.memref_slice %arg6[%scan3A_181, %dma_wait3A_195] : memref<200x128xi32, #tpu.memory_space<vmem>> -> memref<1x128xi32, #tpu.memory_space<vmem>>
      %dma_wait3A_197 = tpu.memref_squeeze %dma_wait3A_196 : memref<1x128xi32, #tpu.memory_space<vmem>> -> memref<128xi32, #tpu.memory_space<vmem>>
      %dma_wait3A_198 = arith.constant 0 : i32
      %dma_wait3A_199 = arith.constant 0 : i32
      %dma_wait3A_200 = tpu.memref_slice %arg4[%dma_wait3A_198, %dma_wait3A_199] : memref<500000x128xf32, #tpu.memory_space<hbm>> -> memref<500000x128xf32, #tpu.memory_space<hbm>>
      %dma_wait3A_201 = tpu.memref_slice %arg10[%rem3A_183] : memref<2x!tpu.dma_semaphore, #tpu.memory_space<semaphore_mem>> -> memref<1x!tpu.dma_semaphore, #tpu.memory_space<semaphore_mem>>
      %dma_wait3A_202 = tpu.memref_squeeze %dma_wait3A_201 : memref<1x!tpu.dma_semaphore, #tpu.memory_space<semaphore_mem>> -> memref<!tpu.dma_semaphore, #tpu.memory_space<semaphore_mem>>
      tpu.wait_indirect_dma semaphore(%dma_wait3A_202 : memref<!tpu.dma_semaphore, #tpu.memory_space<semaphore_mem>>) src(%dma_wait3A_200 : memref<500000x128xf32, #tpu.memory_space<hbm>>) dst(%dma_wait3A_194 : memref<128x128xf32, #tpu.memory_space<vmem>>)
      %ge3A = arith.constant 2 : i32
      %ge3A_203 = arith.cmpi sge, %scan3A_181, %ge3A : i32
      %convert_element_type3A_204 = arith.extui %ge3A_203 : i1 to i32
      %cond3A_205 = arith.constant 0 : i32
      %cond3A_206 = arith.cmpi ne, %convert_element_type3A_204, %cond3A_205 : i32
      scf.if %cond3A_206 {
        %sub3A_291 = arith.constant 2 : i32
        %sub3A_292 = arith.subi %scan3A_181, %sub3A_291 : i32
        %add3A_293 = arith.addi %mul3A_2, %sub3A_292 : i32
        %jit3A_294 = arith.constant 128 : i32
        %div3A_295 = arith.divsi %add3A_293, %jit3A_294 : i32
        %sign3A_296 = arith.constant 0 : i32
        %sign3A_297 = arith.cmpi sgt, %add3A_293, %sign3A_296 : i32
        %sign3A_298 = arith.extui %sign3A_297 : i1 to i32
        %sign3A_299 = arith.constant 0 : i32
        %sign3A_300 = arith.cmpi slt, %add3A_293, %sign3A_299 : i32
        %sign3A_301 = arith.extui %sign3A_300 : i1 to i32
        %sign3A_302 = arith.subi %sign3A_298, %sign3A_301 : i32
        %sign3A_303 = arith.constant 0 : i32
        %sign3A_304 = arith.cmpi sgt, %jit3A_294, %sign3A_303 : i32
        %sign3A_305 = arith.extui %sign3A_304 : i1 to i32
        %sign3A_306 = arith.constant 0 : i32
        %sign3A_307 = arith.cmpi slt, %jit3A_294, %sign3A_306 : i32
        %sign3A_308 = arith.extui %sign3A_307 : i1 to i32
        %sign3A_309 = arith.subi %sign3A_305, %sign3A_308 : i32
        %ne3A_310 = arith.cmpi ne, %sign3A_302, %sign3A_309 : i32
        %rem3A_311 = arith.remsi %add3A_293, %jit3A_294 : i32
        %ne3A_312 = arith.constant 0 : i32
        %ne3A_313 = arith.cmpi ne, %rem3A_311, %ne3A_312 : i32
        %and3A_314 = arith.andi %ne3A_310, %ne3A_313 : i1
        %sub3A_315 = arith.constant 1 : i32
        %sub3A_316 = arith.subi %div3A_295, %sub3A_315 : i32
        %select_n3A_317 = arith.select %and3A_314, %sub3A_316, %div3A_295 : i32
        %jit3A_318 = arith.constant 128 : i32
        %eq3A_319 = arith.constant 0 : i32
        %eq3A_320 = arith.cmpi eq, %jit3A_318, %eq3A_319 : i32
        %jit3A_321 = arith.constant 1 : i32
        %select_n3A_322 = arith.select %eq3A_320, %jit3A_321, %jit3A_318 : i32
        %rem3A_323 = arith.remsi %add3A_293, %select_n3A_322 : i32
        %ne3A_324 = arith.constant 0 : i32
        %ne3A_325 = arith.cmpi ne, %rem3A_323, %ne3A_324 : i32
        %lt3A_326 = arith.constant 0 : i32
        %lt3A_327 = arith.cmpi slt, %rem3A_323, %lt3A_326 : i32
        %lt3A_328 = arith.constant 0 : i32
        %lt3A_329 = arith.cmpi slt, %select_n3A_322, %lt3A_328 : i32
        %ne3A_330 = arith.xori %lt3A_327, %lt3A_329 : i1
        %and3A_331 = arith.andi %ne3A_330, %ne3A_325 : i1
        %add3A_332 = arith.addi %rem3A_323, %select_n3A_322 : i32
        %select_n3A_333 = arith.select %and3A_331, %add3A_332, %rem3A_323 : i32
        %mul3A_334 = arith.constant 128 : i32
        %mul3A_335 = arith.muli %select_n3A_333, %mul3A_334 : i32
        %dma_wait3A_336 = arith.constant 0 : i32
        %dma_wait3A_337 = arith.constant 0 : i32
        %dma_wait3A_338 = tpu.memref_slice %arg9[%rem3A_185, %dma_wait3A_336, %dma_wait3A_337] : memref<2x64x128xf32, #tpu.memory_space<vmem>> -> memref<1x64x128xf32, #tpu.memory_space<vmem>>
        %dma_wait3A_339 = tpu.memref_squeeze %dma_wait3A_338 : memref<1x64x128xf32, #tpu.memory_space<vmem>> -> memref<64x128xf32, #tpu.memory_space<vmem>>
        %dma_wait3A_340 = arith.constant 0 : i32
        %dma_wait3A_341 = tpu.memref_slice %arg5[%select_n3A_317, %dma_wait3A_340, %mul3A_335] : memref<50x64x16384xf32, #tpu.memory_space<hbm>> -> memref<1x64x128xf32, #tpu.memory_space<hbm>>
        %dma_wait3A_342 = tpu.memref_squeeze %dma_wait3A_341 : memref<1x64x128xf32, #tpu.memory_space<hbm>> -> memref<64x128xf32, #tpu.memory_space<hbm>>
        %dma_wait3A_343 = tpu.memref_slice %arg11[%rem3A_185] : memref<2x!tpu.dma_semaphore, #tpu.memory_space<semaphore_mem>> -> memref<1x!tpu.dma_semaphore, #tpu.memory_space<semaphore_mem>>
        %dma_wait3A_344 = tpu.memref_squeeze %dma_wait3A_343 : memref<1x!tpu.dma_semaphore, #tpu.memory_space<semaphore_mem>> -> memref<!tpu.dma_semaphore, #tpu.memory_space<semaphore_mem>>
        %dma_wait3A_345 = arith.constant 0 : i32
        %dma_wait3A_346 = tpu.memref_slice %arg5[%select_n3A_317, %dma_wait3A_345, %mul3A_335] : memref<50x64x16384xf32, #tpu.memory_space<hbm>> -> memref<1x64x128xf32, #tpu.memory_space<hbm>>
        %dma_wait3A_347 = tpu.memref_squeeze %dma_wait3A_346 : memref<1x64x128xf32, #tpu.memory_space<hbm>> -> memref<64x128xf32, #tpu.memory_space<hbm>>
        %dma_wait3A_348 = arith.constant 0 : i32
        %dma_wait3A_349 = arith.constant 0 : i32
        %dma_wait3A_350 = tpu.memref_slice %arg9[%rem3A_185, %dma_wait3A_348, %dma_wait3A_349] : memref<2x64x128xf32, #tpu.memory_space<vmem>> -> memref<1x64x128xf32, #tpu.memory_space<vmem>>
        %dma_wait3A_351 = tpu.memref_squeeze %dma_wait3A_350 : memref<1x64x128xf32, #tpu.memory_space<vmem>> -> memref<64x128xf32, #tpu.memory_space<vmem>>
        tpu.wait_dma2 semaphore(%dma_wait3A_344 : memref<!tpu.dma_semaphore, #tpu.memory_space<semaphore_mem>>) src(%dma_wait3A_351 : memref<64x128xf32, #tpu.memory_space<vmem>>) dst(%dma_wait3A_347 : memref<64x128xf32, #tpu.memory_space<hbm>>)
      } else {
      }
      %get3A = arith.index_cast %scan3A_181 : i32 to index
      %get3A_207 = arith.constant 0 : index
      %get3A_208 = tpu.vector_load %arg7[%get3A, %get3A_207] {strides = array<i32>} : memref<200x128xi32, #tpu.memory_space<vmem>>, vector<16xi32>,
      %get3A_209 = arith.index_cast %scan3A_181 : i32 to index
      %get3A_210 = arith.constant 16 : index
      %get3A_211 = tpu.vector_load %arg7[%get3A_209, %get3A_210] {strides = array<i32>} : memref<200x128xi32, #tpu.memory_space<vmem>>, vector<16xi32>,
      %get3A_212 = arith.index_cast %scan3A_181 : i32 to index
      %get3A_213 = arith.constant 32 : index
      %get3A_214 = tpu.vector_load %arg7[%get3A_212, %get3A_213] {strides = array<i32>} : memref<200x128xi32, #tpu.memory_space<vmem>>, vector<16xi32>,
      %get3A_215 = arith.index_cast %scan3A_181 : i32 to index
      %get3A_216 = arith.constant 48 : index
      %get3A_217 = tpu.vector_load %arg7[%get3A_215, %get3A_216] {strides = array<i32>} : memref<200x128xi32, #tpu.memory_space<vmem>>, vector<16xi32>,
      %get3A_218 = arith.index_cast %scan3A_181 : i32 to index
      %get3A_219 = arith.constant 64 : index
      %get3A_220 = tpu.vector_load %arg7[%get3A_218, %get3A_219] {strides = array<i32>} : memref<200x128xi32, #tpu.memory_space<vmem>>, vector<16xi32>,
      %get3A_221 = arith.index_cast %scan3A_181 : i32 to index
      %get3A_222 = arith.constant 80 : index
      %get3A_223 = tpu.vector_load %arg7[%get3A_221, %get3A_222] {strides = array<i32>} : memref<200x128xi32, #tpu.memory_space<vmem>>, vector<16xi32>,
      %get3A_224 = arith.index_cast %scan3A_181 : i32 to index
      %get3A_225 = arith.constant 96 : index
      %get3A_226 = tpu.vector_load %arg7[%get3A_224, %get3A_225] {strides = array<i32>} : memref<200x128xi32, #tpu.memory_space<vmem>>, vector<16xi32>,
      %get3A_227 = arith.index_cast %scan3A_181 : i32 to index
      %get3A_228 = arith.constant 112 : index
      %get3A_229 = tpu.vector_load %arg7[%get3A_227, %get3A_228] {strides = array<i32>} : memref<200x128xi32, #tpu.memory_space<vmem>>, vector<16xi32>,
      %parallel_loop3A = arith.constant 0 : i32
      %parallel_loop3A_230 = arith.constant 64 : i32
      %parallel_loop3A_231 = arith.constant 1 : i32
      scf.for %parallel_loop3A_291 = %parallel_loop3A to %parallel_loop3A_230 step %parallel_loop3A_231  : i32 {
        %parallel_loop3A_292 = vector.broadcast %parallel_loop3A_291 : i32 to vector<16xi32>
        %parallel_loop3A_293 = arith.addi %get3A_208, %parallel_loop3A_292 : vector<16xi32>
        %parallel_loop3A_294 = arith.constant 0 : i32
        %parallel_loop3A_295 = arith.constant 0 : i32
        %parallel_loop3A_296 = tpu.memref_slice %arg8[%rem3A_183, %parallel_loop3A_294, %parallel_loop3A_295] : memref<3x128x128xf32, #tpu.memory_space<vmem>> -> memref<1x128x128xf32, #tpu.memory_space<vmem>>
        %parallel_loop3A_297 = tpu.memref_squeeze %parallel_loop3A_296 : memref<1x128x128xf32, #tpu.memory_space<vmem>> -> memref<128x128xf32, #tpu.memory_space<vmem>>
        %parallel_loop3A_298 = tpu.vector_load_idx %parallel_loop3A_297[%add3A_5, %parallel_loop3A_293] : memref<128x128xf32, #tpu.memory_space<vmem>>[vector<16xi32>, vector<16xi32>], vector<16xf32>,
        %parallel_loop3A_299 = arith.index_cast %rem3A_185 : i32 to index
        %parallel_loop3A_300 = arith.index_cast %parallel_loop3A_291 : i32 to index
        %parallel_loop3A_301 = arith.constant 0 : index
        %parallel_loop3A_302 = tpu.vector_load %arg9[%parallel_loop3A_299, %parallel_loop3A_300, %parallel_loop3A_301] {strides = array<i32>} : memref<2x64x128xf32, #tpu.memory_space<vmem>>, vector<16xf32>,
        tpu.vector_store %arg9[%parallel_loop3A_299, %parallel_loop3A_300, %parallel_loop3A_301], %parallel_loop3A_298 {strides = array<i32>} : memref<2x64x128xf32, #tpu.memory_space<vmem>>, vector<16xf32>,
        %parallel_loop3A_303 = vector.broadcast %parallel_loop3A_291 : i32 to vector<16xi32>
        %parallel_loop3A_304 = arith.addi %get3A_211, %parallel_loop3A_303 : vector<16xi32>
        %parallel_loop3A_305 = arith.constant 0 : i32
        %parallel_loop3A_306 = arith.constant 0 : i32
        %parallel_loop3A_307 = tpu.memref_slice %arg8[%rem3A_183, %parallel_loop3A_305, %parallel_loop3A_306] : memref<3x128x128xf32, #tpu.memory_space<vmem>> -> memref<1x128x128xf32, #tpu.memory_space<vmem>>
        %parallel_loop3A_308 = tpu.memref_squeeze %parallel_loop3A_307 : memref<1x128x128xf32, #tpu.memory_space<vmem>> -> memref<128x128xf32, #tpu.memory_space<vmem>>
        %parallel_loop3A_309 = tpu.vector_load_idx %parallel_loop3A_308[%add3A_9, %parallel_loop3A_304] : memref<128x128xf32, #tpu.memory_space<vmem>>[vector<16xi32>, vector<16xi32>], vector<16xf32>,
        %parallel_loop3A_310 = arith.index_cast %rem3A_185 : i32 to index
        %parallel_loop3A_311 = arith.index_cast %parallel_loop3A_291 : i32 to index
        %parallel_loop3A_312 = arith.constant 16 : index
        %parallel_loop3A_313 = tpu.vector_load %arg9[%parallel_loop3A_310, %parallel_loop3A_311, %parallel_loop3A_312] {strides = array<i32>} : memref<2x64x128xf32, #tpu.memory_space<vmem>>, vector<16xf32>,
        tpu.vector_store %arg9[%parallel_loop3A_310, %parallel_loop3A_311, %parallel_loop3A_312], %parallel_loop3A_309 {strides = array<i32>} : memref<2x64x128xf32, #tpu.memory_space<vmem>>, vector<16xf32>,
        %parallel_loop3A_314 = vector.broadcast %parallel_loop3A_291 : i32 to vector<16xi32>
        %parallel_loop3A_315 = arith.addi %get3A_214, %parallel_loop3A_314 : vector<16xi32>
        %parallel_loop3A_316 = arith.constant 0 : i32
        %parallel_loop3A_317 = arith.constant 0 : i32
        %parallel_loop3A_318 = tpu.memref_slice %arg8[%rem3A_183, %parallel_loop3A_316, %parallel_loop3A_317] : memref<3x128x128xf32, #tpu.memory_space<vmem>> -> memref<1x128x128xf32, #tpu.memory_space<vmem>>
        %parallel_loop3A_319 = tpu.memref_squeeze %parallel_loop3A_318 : memref<1x128x128xf32, #tpu.memory_space<vmem>> -> memref<128x128xf32, #tpu.memory_space<vmem>>
        %parallel_loop3A_320 = tpu.vector_load_idx %parallel_loop3A_319[%add3A_13, %parallel_loop3A_315] : memref<128x128xf32, #tpu.memory_space<vmem>>[vector<16xi32>, vector<16xi32>], vector<16xf32>,
        %parallel_loop3A_321 = arith.index_cast %rem3A_185 : i32 to index
        %parallel_loop3A_322 = arith.index_cast %parallel_loop3A_291 : i32 to index
        %parallel_loop3A_323 = arith.constant 32 : index
        %parallel_loop3A_324 = tpu.vector_load %arg9[%parallel_loop3A_321, %parallel_loop3A_322, %parallel_loop3A_323] {strides = array<i32>} : memref<2x64x128xf32, #tpu.memory_space<vmem>>, vector<16xf32>,
        tpu.vector_store %arg9[%parallel_loop3A_321, %parallel_loop3A_322, %parallel_loop3A_323], %parallel_loop3A_320 {strides = array<i32>} : memref<2x64x128xf32, #tpu.memory_space<vmem>>, vector<16xf32>,
        %parallel_loop3A_325 = vector.broadcast %parallel_loop3A_291 : i32 to vector<16xi32>
        %parallel_loop3A_326 = arith.addi %get3A_217, %parallel_loop3A_325 : vector<16xi32>
        %parallel_loop3A_327 = arith.constant 0 : i32
        %parallel_loop3A_328 = arith.constant 0 : i32
        %parallel_loop3A_329 = tpu.memref_slice %arg8[%rem3A_183, %parallel_loop3A_327, %parallel_loop3A_328] : memref<3x128x128xf32, #tpu.memory_space<vmem>> -> memref<1x128x128xf32, #tpu.memory_space<vmem>>
        %parallel_loop3A_330 = tpu.memref_squeeze %parallel_loop3A_329 : memref<1x128x128xf32, #tpu.memory_space<vmem>> -> memref<128x128xf32, #tpu.memory_space<vmem>>
        %parallel_loop3A_331 = tpu.vector_load_idx %parallel_loop3A_330[%add3A_17, %parallel_loop3A_326] : memref<128x128xf32, #tpu.memory_space<vmem>>[vector<16xi32>, vector<16xi32>], vector<16xf32>,
        %parallel_loop3A_332 = arith.index_cast %rem3A_185 : i32 to index
        %parallel_loop3A_333 = arith.index_cast %parallel_loop3A_291 : i32 to index
        %parallel_loop3A_334 = arith.constant 48 : index
        %parallel_loop3A_335 = tpu.vector_load %arg9[%parallel_loop3A_332, %parallel_loop3A_333, %parallel_loop3A_334] {strides = array<i32>} : memref<2x64x128xf32, #tpu.memory_space<vmem>>, vector<16xf32>,
        tpu.vector_store %arg9[%parallel_loop3A_332, %parallel_loop3A_333, %parallel_loop3A_334], %parallel_loop3A_331 {strides = array<i32>} : memref<2x64x128xf32, #tpu.memory_space<vmem>>, vector<16xf32>,
        %parallel_loop3A_336 = vector.broadcast %parallel_loop3A_291 : i32 to vector<16xi32>
        %parallel_loop3A_337 = arith.addi %get3A_220, %parallel_loop3A_336 : vector<16xi32>
        %parallel_loop3A_338 = arith.constant 0 : i32
        %parallel_loop3A_339 = arith.constant 0 : i32
        %parallel_loop3A_340 = tpu.memref_slice %arg8[%rem3A_183, %parallel_loop3A_338, %parallel_loop3A_339] : memref<3x128x128xf32, #tpu.memory_space<vmem>> -> memref<1x128x128xf32, #tpu.memory_space<vmem>>
        %parallel_loop3A_341 = tpu.memref_squeeze %parallel_loop3A_340 : memref<1x128x128xf32, #tpu.memory_space<vmem>> -> memref<128x128xf32, #tpu.memory_space<vmem>>
        %parallel_loop3A_342 = tpu.vector_load_idx %parallel_loop3A_341[%add3A_21, %parallel_loop3A_337] : memref<128x128xf32, #tpu.memory_space<vmem>>[vector<16xi32>, vector<16xi32>], vector<16xf32>,
        %parallel_loop3A_343 = arith.index_cast %rem3A_185 : i32 to index
        %parallel_loop3A_344 = arith.index_cast %parallel_loop3A_291 : i32 to index
        %parallel_loop3A_345 = arith.constant 64 : index
        %parallel_loop3A_346 = tpu.vector_load %arg9[%parallel_loop3A_343, %parallel_loop3A_344, %parallel_loop3A_345] {strides = array<i32>} : memref<2x64x128xf32, #tpu.memory_space<vmem>>, vector<16xf32>,
        tpu.vector_store %arg9[%parallel_loop3A_343, %parallel_loop3A_344, %parallel_loop3A_345], %parallel_loop3A_342 {strides = array<i32>} : memref<2x64x128xf32, #tpu.memory_space<vmem>>, vector<16xf32>,
        %parallel_loop3A_347 = vector.broadcast %parallel_loop3A_291 : i32 to vector<16xi32>
        %parallel_loop3A_348 = arith.addi %get3A_223, %parallel_loop3A_347 : vector<16xi32>
        %parallel_loop3A_349 = arith.constant 0 : i32
        %parallel_loop3A_350 = arith.constant 0 : i32
        %parallel_loop3A_351 = tpu.memref_slice %arg8[%rem3A_183, %parallel_loop3A_349, %parallel_loop3A_350] : memref<3x128x128xf32, #tpu.memory_space<vmem>> -> memref<1x128x128xf32, #tpu.memory_space<vmem>>
        %parallel_loop3A_352 = tpu.memref_squeeze %parallel_loop3A_351 : memref<1x128x128xf32, #tpu.memory_space<vmem>> -> memref<128x128xf32, #tpu.memory_space<vmem>>
        %parallel_loop3A_353 = tpu.vector_load_idx %parallel_loop3A_352[%add3A_25, %parallel_loop3A_348] : memref<128x128xf32, #tpu.memory_space<vmem>>[vector<16xi32>, vector<16xi32>], vector<16xf32>,
        %parallel_loop3A_354 = arith.index_cast %rem3A_185 : i32 to index
        %parallel_loop3A_355 = arith.index_cast %parallel_loop3A_291 : i32 to index
        %parallel_loop3A_356 = arith.constant 80 : index
        %parallel_loop3A_357 = tpu.vector_load %arg9[%parallel_loop3A_354, %parallel_loop3A_355, %parallel_loop3A_356] {strides = array<i32>} : memref<2x64x128xf32, #tpu.memory_space<vmem>>, vector<16xf32>,
        tpu.vector_store %arg9[%parallel_loop3A_354, %parallel_loop3A_355, %parallel_loop3A_356], %parallel_loop3A_353 {strides = array<i32>} : memref<2x64x128xf32, #tpu.memory_space<vmem>>, vector<16xf32>,
        %parallel_loop3A_358 = vector.broadcast %parallel_loop3A_291 : i32 to vector<16xi32>
        %parallel_loop3A_359 = arith.addi %get3A_226, %parallel_loop3A_358 : vector<16xi32>
        %parallel_loop3A_360 = arith.constant 0 : i32
        %parallel_loop3A_361 = arith.constant 0 : i32
        %parallel_loop3A_362 = tpu.memref_slice %arg8[%rem3A_183, %parallel_loop3A_360, %parallel_loop3A_361] : memref<3x128x128xf32, #tpu.memory_space<vmem>> -> memref<1x128x128xf32, #tpu.memory_space<vmem>>
        %parallel_loop3A_363 = tpu.memref_squeeze %parallel_loop3A_362 : memref<1x128x128xf32, #tpu.memory_space<vmem>> -> memref<128x128xf32, #tpu.memory_space<vmem>>
        %parallel_loop3A_364 = tpu.vector_load_idx %parallel_loop3A_363[%add3A_29, %parallel_loop3A_359] : memref<128x128xf32, #tpu.memory_space<vmem>>[vector<16xi32>, vector<16xi32>], vector<16xf32>,
        %parallel_loop3A_365 = arith.index_cast %rem3A_185 : i32 to index
        %parallel_loop3A_366 = arith.index_cast %parallel_loop3A_291 : i32 to index
        %parallel_loop3A_367 = arith.constant 96 : index
        %parallel_loop3A_368 = tpu.vector_load %arg9[%parallel_loop3A_365, %parallel_loop3A_366, %parallel_loop3A_367] {strides = array<i32>} : memref<2x64x128xf32, #tpu.memory_space<vmem>>, vector<16xf32>,
        tpu.vector_store %arg9[%parallel_loop3A_365, %parallel_loop3A_366, %parallel_loop3A_367], %parallel_loop3A_364 {strides = array<i32>} : memref<2x64x128xf32, #tpu.memory_space<vmem>>, vector<16xf32>,
        %parallel_loop3A_369 = vector.broadcast %parallel_loop3A_291 : i32 to vector<16xi32>
        %parallel_loop3A_370 = arith.addi %get3A_229, %parallel_loop3A_369 : vector<16xi32>
        %parallel_loop3A_371 = arith.constant 0 : i32
        %parallel_loop3A_372 = arith.constant 0 : i32
        %parallel_loop3A_373 = tpu.memref_slice %arg8[%rem3A_183, %parallel_loop3A_371, %parallel_loop3A_372] : memref<3x128x128xf32, #tpu.memory_space<vmem>> -> memref<1x128x128xf32, #tpu.memory_space<vmem>>
        %parallel_loop3A_374 = tpu.memref_squeeze %parallel_loop3A_373 : memref<1x128x128xf32, #tpu.memory_space<vmem>> -> memref<128x128xf32, #tpu.memory_space<vmem>>
        %parallel_loop3A_375 = tpu.vector_load_idx %parallel_loop3A_374[%add3A_33, %parallel_loop3A_370] : memref<128x128xf32, #tpu.memory_space<vmem>>[vector<16xi32>, vector<16xi32>], vector<16xf32>,
        %parallel_loop3A_376 = arith.index_cast %rem3A_185 : i32 to index
        %parallel_loop3A_377 = arith.index_cast %parallel_loop3A_291 : i32 to index
        %parallel_loop3A_378 = arith.constant 112 : index
        %parallel_loop3A_379 = tpu.vector_load %arg9[%parallel_loop3A_376, %parallel_loop3A_377, %parallel_loop3A_378] {strides = array<i32>} : memref<2x64x128xf32, #tpu.memory_space<vmem>>, vector<16xf32>,
        tpu.vector_store %arg9[%parallel_loop3A_376, %parallel_loop3A_377, %parallel_loop3A_378], %parallel_loop3A_375 {strides = array<i32>} : memref<2x64x128xf32, #tpu.memory_space<vmem>>, vector<16xf32>,
      } {sc.loop_unroll_factor = 8 : i64, sc.parallel_access}
      %add3A_232 = arith.addi %mul3A_2, %scan3A_181 : i32
      %jit3A_233 = arith.constant 128 : i32
      %div3A_234 = arith.divsi %add3A_232, %jit3A_233 : i32
      %sign3A_235 = arith.constant 0 : i32
      %sign3A_236 = arith.cmpi sgt, %add3A_232, %sign3A_235 : i32
      %sign3A_237 = arith.extui %sign3A_236 : i1 to i32
      %sign3A_238 = arith.constant 0 : i32
      %sign3A_239 = arith.cmpi slt, %add3A_232, %sign3A_238 : i32
      %sign3A_240 = arith.extui %sign3A_239 : i1 to i32
      %sign3A_241 = arith.subi %sign3A_237, %sign3A_240 : i32
      %sign3A_242 = arith.constant 0 : i32
      %sign3A_243 = arith.cmpi sgt, %jit3A_233, %sign3A_242 : i32
      %sign3A_244 = arith.extui %sign3A_243 : i1 to i32
      %sign3A_245 = arith.constant 0 : i32
      %sign3A_246 = arith.cmpi slt, %jit3A_233, %sign3A_245 : i32
      %sign3A_247 = arith.extui %sign3A_246 : i1 to i32
      %sign3A_248 = arith.subi %sign3A_244, %sign3A_247 : i32
      %ne3A_249 = arith.cmpi ne, %sign3A_241, %sign3A_248 : i32
      %rem3A_250 = arith.remsi %add3A_232, %jit3A_233 : i32
      %ne3A_251 = arith.constant 0 : i32
      %ne3A_252 = arith.cmpi ne, %rem3A_250, %ne3A_251 : i32
      %and3A_253 = arith.andi %ne3A_249, %ne3A_252 : i1
      %sub3A_254 = arith.constant 1 : i32
      %sub3A_255 = arith.subi %div3A_234, %sub3A_254 : i32
      %select_n3A_256 = arith.select %and3A_253, %sub3A_255, %div3A_234 : i32
      %jit3A_257 = arith.constant 128 : i32
      %eq3A_258 = arith.constant 0 : i32
      %eq3A_259 = arith.cmpi eq, %jit3A_257, %eq3A_258 : i32
      %jit3A_260 = arith.constant 1 : i32
      %select_n3A_261 = arith.select %eq3A_259, %jit3A_260, %jit3A_257 : i32
      %rem3A_262 = arith.remsi %add3A_232, %select_n3A_261 : i32
      %ne3A_263 = arith.constant 0 : i32
      %ne3A_264 = arith.cmpi ne, %rem3A_262, %ne3A_263 : i32
      %lt3A_265 = arith.constant 0 : i32
      %lt3A_266 = arith.cmpi slt, %rem3A_262, %lt3A_265 : i32
      %lt3A_267 = arith.constant 0 : i32
      %lt3A_268 = arith.cmpi slt, %select_n3A_261, %lt3A_267 : i32
      %ne3A_269 = arith.xori %lt3A_266, %lt3A_268 : i1
      %and3A_270 = arith.andi %ne3A_269, %ne3A_264 : i1
      %add3A_271 = arith.addi %rem3A_262, %select_n3A_261 : i32
      %select_n3A_272 = arith.select %and3A_270, %add3A_271, %rem3A_262 : i32
      %mul3A_273 = arith.constant 128 : i32
      %mul3A_274 = arith.muli %select_n3A_272, %mul3A_273 : i32
      %dma_start3A_275 = arith.constant 0 : i32
      %dma_start3A_276 = arith.constant 0 : i32
      %dma_start3A_277 = tpu.memref_slice %arg9[%rem3A_185, %dma_start3A_275, %dma_start3A_276] : memref<2x64x128xf32, #tpu.memory_space<vmem>> -> memref<1x64x128xf32, #tpu.memory_space<vmem>>
      %dma_start3A_278 = tpu.memref_squeeze %dma_start3A_277 : memref<1x64x128xf32, #tpu.memory_space<vmem>> -> memref<64x128xf32, #tpu.memory_space<vmem>>
      %dma_start3A_279 = arith.constant 0 : i32
      %dma_start3A_280 = tpu.memref_slice %arg5[%select_n3A_256, %dma_start3A_279, %mul3A_274] : memref<50x64x16384xf32, #tpu.memory_space<hbm>> -> memref<1x64x128xf32, #tpu.memory_space<hbm>>
      %dma_start3A_281 = tpu.memref_squeeze %dma_start3A_280 : memref<1x64x128xf32, #tpu.memory_space<hbm>> -> memref<64x128xf32, #tpu.memory_space<hbm>>
      %dma_start3A_282 = tpu.memref_slice %arg11[%rem3A_185] : memref<2x!tpu.dma_semaphore, #tpu.memory_space<semaphore_mem>> -> memref<1x!tpu.dma_semaphore, #tpu.memory_space<semaphore_mem>>
      %dma_start3A_283 = tpu.memref_squeeze %dma_start3A_282 : memref<1x!tpu.dma_semaphore, #tpu.memory_space<semaphore_mem>> -> memref<!tpu.dma_semaphore, #tpu.memory_space<semaphore_mem>>
      %dma_start3A_284 = arith.constant 0 : i32
      %dma_start3A_285 = tpu.memref_slice %arg5[%select_n3A_256, %dma_start3A_284, %mul3A_274] : memref<50x64x16384xf32, #tpu.memory_space<hbm>> -> memref<1x64x128xf32, #tpu.memory_space<hbm>>
      %dma_start3A_286 = tpu.memref_squeeze %dma_start3A_285 : memref<1x64x128xf32, #tpu.memory_space<hbm>> -> memref<64x128xf32, #tpu.memory_space<hbm>>
      %dma_start3A_287 = arith.constant 0 : i32
      %dma_start3A_288 = arith.constant 0 : i32
      %dma_start3A_289 = tpu.memref_slice %arg9[%rem3A_185, %dma_start3A_287, %dma_start3A_288] : memref<2x64x128xf32, #tpu.memory_space<vmem>> -> memref<1x64x128xf32, #tpu.memory_space<vmem>>
      %dma_start3A_290 = tpu.memref_squeeze %dma_start3A_289 : memref<1x64x128xf32, #tpu.memory_space<vmem>> -> memref<64x128xf32, #tpu.memory_space<vmem>>
      tpu.enqueue_dma source(%dma_start3A_290 : memref<64x128xf32, #tpu.memory_space<vmem>>) target(%dma_start3A_286 : memref<64x128xf32, #tpu.memory_space<hbm>>) target_semaphore(%dma_start3A_283 : memref<!tpu.dma_semaphore, #tpu.memory_space<semaphore_mem>>)
    }
    %scan3A_67 = arith.constant 200 : i32
    %add3A_68 = arith.constant 198 : i32
    %add3A_69 = arith.addi %mul3A_2, %add3A_68 : i32
    %jit3A = arith.constant 128 : i32
    %div3A = arith.divsi %add3A_69, %jit3A : i32
    %sign3A = arith.constant 0 : i32
    %sign3A_70 = arith.cmpi sgt, %add3A_69, %sign3A : i32
    %sign3A_71 = arith.extui %sign3A_70 : i1 to i32
    %sign3A_72 = arith.constant 0 : i32
    %sign3A_73 = arith.cmpi slt, %add3A_69, %sign3A_72 : i32
    %sign3A_74 = arith.extui %sign3A_73 : i1 to i32
    %sign3A_75 = arith.subi %sign3A_71, %sign3A_74 : i32
    %sign3A_76 = arith.constant 0 : i32
    %sign3A_77 = arith.cmpi sgt, %jit3A, %sign3A_76 : i32
    %sign3A_78 = arith.extui %sign3A_77 : i1 to i32
    %sign3A_79 = arith.constant 0 : i32
    %sign3A_80 = arith.cmpi slt, %jit3A, %sign3A_79 : i32
    %sign3A_81 = arith.extui %sign3A_80 : i1 to i32
    %sign3A_82 = arith.subi %sign3A_78, %sign3A_81 : i32
    %ne3A = arith.cmpi ne, %sign3A_75, %sign3A_82 : i32
    %rem3A = arith.remsi %add3A_69, %jit3A : i32
    %ne3A_83 = arith.constant 0 : i32
    %ne3A_84 = arith.cmpi ne, %rem3A, %ne3A_83 : i32
    %and3A = arith.andi %ne3A, %ne3A_84 : i1
    %sub3A = arith.constant 1 : i32
    %sub3A_85 = arith.subi %div3A, %sub3A : i32
    %select_n3A = arith.select %and3A, %sub3A_85, %div3A : i32
    %jit3A_86 = arith.constant 128 : i32
    %eq3A = arith.constant 0 : i32
    %eq3A_87 = arith.cmpi eq, %jit3A_86, %eq3A : i32
    %jit3A_88 = arith.constant 1 : i32
    %select_n3A_89 = arith.select %eq3A_87, %jit3A_88, %jit3A_86 : i32
    %rem3A_90 = arith.remsi %add3A_69, %select_n3A_89 : i32
    %ne3A_91 = arith.constant 0 : i32
    %ne3A_92 = arith.cmpi ne, %rem3A_90, %ne3A_91 : i32
    %lt3A = arith.constant 0 : i32
    %lt3A_93 = arith.cmpi slt, %rem3A_90, %lt3A : i32
    %lt3A_94 = arith.constant 0 : i32
    %lt3A_95 = arith.cmpi slt, %select_n3A_89, %lt3A_94 : i32
    %ne3A_96 = arith.xori %lt3A_93, %lt3A_95 : i1
    %and3A_97 = arith.andi %ne3A_96, %ne3A_92 : i1
    %add3A_98 = arith.addi %rem3A_90, %select_n3A_89 : i32
    %select_n3A_99 = arith.select %and3A_97, %add3A_98, %rem3A_90 : i32
    %mul3A_100 = arith.constant 128 : i32
    %mul3A_101 = arith.muli %select_n3A_99, %mul3A_100 : i32
    %dma_wait3A = arith.constant 0 : i32
    %dma_wait3A_102 = arith.constant 0 : i32
    %dma_wait3A_103 = arith.constant 0 : i32
    %dma_wait3A_104 = arith.constant 0 : i32
    %dma_wait3A_105 = tpu.memref_slice %arg9[%dma_wait3A, %dma_wait3A_103, %dma_wait3A_104] : memref<2x64x128xf32, #tpu.memory_space<vmem>> -> memref<1x64x128xf32, #tpu.memory_space<vmem>>
    %dma_wait3A_106 = tpu.memref_squeeze %dma_wait3A_105 : memref<1x64x128xf32, #tpu.memory_space<vmem>> -> memref<64x128xf32, #tpu.memory_space<vmem>>
    %dma_wait3A_107 = arith.constant 0 : i32
    %dma_wait3A_108 = tpu.memref_slice %arg5[%select_n3A, %dma_wait3A_107, %mul3A_101] : memref<50x64x16384xf32, #tpu.memory_space<hbm>> -> memref<1x64x128xf32, #tpu.memory_space<hbm>>
    %dma_wait3A_109 = tpu.memref_squeeze %dma_wait3A_108 : memref<1x64x128xf32, #tpu.memory_space<hbm>> -> memref<64x128xf32, #tpu.memory_space<hbm>>
    %dma_wait3A_110 = tpu.memref_slice %arg11[%dma_wait3A_102] : memref<2x!tpu.dma_semaphore, #tpu.memory_space<semaphore_mem>> -> memref<1x!tpu.dma_semaphore, #tpu.memory_space<semaphore_mem>>
    %dma_wait3A_111 = tpu.memref_squeeze %dma_wait3A_110 : memref<1x!tpu.dma_semaphore, #tpu.memory_space<semaphore_mem>> -> memref<!tpu.dma_semaphore, #tpu.memory_space<semaphore_mem>>
    %dma_wait3A_112 = arith.constant 0 : i32
    %dma_wait3A_113 = tpu.memref_slice %arg5[%select_n3A, %dma_wait3A_112, %mul3A_101] : memref<50x64x16384xf32, #tpu.memory_space<hbm>> -> memref<1x64x128xf32, #tpu.memory_space<hbm>>
    %dma_wait3A_114 = tpu.memref_squeeze %dma_wait3A_113 : memref<1x64x128xf32, #tpu.memory_space<hbm>> -> memref<64x128xf32, #tpu.memory_space<hbm>>
    %dma_wait3A_115 = arith.constant 0 : i32
    %dma_wait3A_116 = arith.constant 0 : i32
    %dma_wait3A_117 = tpu.memref_slice %arg9[%dma_wait3A, %dma_wait3A_115, %dma_wait3A_116] : memref<2x64x128xf32, #tpu.memory_space<vmem>> -> memref<1x64x128xf32, #tpu.memory_space<vmem>>
    %dma_wait3A_118 = tpu.memref_squeeze %dma_wait3A_117 : memref<1x64x128xf32, #tpu.memory_space<vmem>> -> memref<64x128xf32, #tpu.memory_space<vmem>>
    tpu.wait_dma2 semaphore(%dma_wait3A_111 : memref<!tpu.dma_semaphore, #tpu.memory_space<semaphore_mem>>) src(%dma_wait3A_118 : memref<64x128xf32, #tpu.memory_space<vmem>>) dst(%dma_wait3A_114 : memref<64x128xf32, #tpu.memory_space<hbm>>)
    %add3A_119 = arith.constant 199 : i32
    %add3A_120 = arith.addi %mul3A_2, %add3A_119 : i32
    %jit3A_121 = arith.constant 128 : i32
    %div3A_122 = arith.divsi %add3A_120, %jit3A_121 : i32
    %sign3A_123 = arith.constant 0 : i32
    %sign3A_124 = arith.cmpi sgt, %add3A_120, %sign3A_123 : i32
    %sign3A_125 = arith.extui %sign3A_124 : i1 to i32
    %sign3A_126 = arith.constant 0 : i32
    %sign3A_127 = arith.cmpi slt, %add3A_120, %sign3A_126 : i32
    %sign3A_128 = arith.extui %sign3A_127 : i1 to i32
    %sign3A_129 = arith.subi %sign3A_125, %sign3A_128 : i32
    %sign3A_130 = arith.constant 0 : i32
    %sign3A_131 = arith.cmpi sgt, %jit3A_121, %sign3A_130 : i32
    %sign3A_132 = arith.extui %sign3A_131 : i1 to i32
    %sign3A_133 = arith.constant 0 : i32
    %sign3A_134 = arith.cmpi slt, %jit3A_121, %sign3A_133 : i32
    %sign3A_135 = arith.extui %sign3A_134 : i1 to i32
    %sign3A_136 = arith.subi %sign3A_132, %sign3A_135 : i32
    %ne3A_137 = arith.cmpi ne, %sign3A_129, %sign3A_136 : i32
    %rem3A_138 = arith.remsi %add3A_120, %jit3A_121 : i32
    %ne3A_139 = arith.constant 0 : i32
    %ne3A_140 = arith.cmpi ne, %rem3A_138, %ne3A_139 : i32
    %and3A_141 = arith.andi %ne3A_137, %ne3A_140 : i1
    %sub3A_142 = arith.constant 1 : i32
    %sub3A_143 = arith.subi %div3A_122, %sub3A_142 : i32
    %select_n3A_144 = arith.select %and3A_141, %sub3A_143, %div3A_122 : i32
    %jit3A_145 = arith.constant 128 : i32
    %eq3A_146 = arith.constant 0 : i32
    %eq3A_147 = arith.cmpi eq, %jit3A_145, %eq3A_146 : i32
    %jit3A_148 = arith.constant 1 : i32
    %select_n3A_149 = arith.select %eq3A_147, %jit3A_148, %jit3A_145 : i32
    %rem3A_150 = arith.remsi %add3A_120, %select_n3A_149 : i32
    %ne3A_151 = arith.constant 0 : i32
    %ne3A_152 = arith.cmpi ne, %rem3A_150, %ne3A_151 : i32
    %lt3A_153 = arith.constant 0 : i32
    %lt3A_154 = arith.cmpi slt, %rem3A_150, %lt3A_153 : i32
    %lt3A_155 = arith.constant 0 : i32
    %lt3A_156 = arith.cmpi slt, %select_n3A_149, %lt3A_155 : i32
    %ne3A_157 = arith.xori %lt3A_154, %lt3A_156 : i1
    %and3A_158 = arith.andi %ne3A_157, %ne3A_152 : i1
    %add3A_159 = arith.addi %rem3A_150, %select_n3A_149 : i32
    %select_n3A_160 = arith.select %and3A_158, %add3A_159, %rem3A_150 : i32
    %mul3A_161 = arith.constant 128 : i32
    %mul3A_162 = arith.muli %select_n3A_160, %mul3A_161 : i32
    %dma_wait3A_163 = arith.constant 1 : i32
    %dma_wait3A_164 = arith.constant 1 : i32
    %dma_wait3A_165 = arith.constant 0 : i32
    %dma_wait3A_166 = arith.constant 0 : i32
    %dma_wait3A_167 = tpu.memref_slice %arg9[%dma_wait3A_163, %dma_wait3A_165, %dma_wait3A_166] : memref<2x64x128xf32, #tpu.memory_space<vmem>> -> memref<1x64x128xf32, #tpu.memory_space<vmem>>
    %dma_wait3A_168 = tpu.memref_squeeze %dma_wait3A_167 : memref<1x64x128xf32, #tpu.memory_space<vmem>> -> memref<64x128xf32, #tpu.memory_space<vmem>>
    %dma_wait3A_169 = arith.constant 0 : i32
    %dma_wait3A_170 = tpu.memref_slice %arg5[%select_n3A_144, %dma_wait3A_169, %mul3A_162] : memref<50x64x16384xf32, #tpu.memory_space<hbm>> -> memref<1x64x128xf32, #tpu.memory_space<hbm>>
    %dma_wait3A_171 = tpu.memref_squeeze %dma_wait3A_170 : memref<1x64x128xf32, #tpu.memory_space<hbm>> -> memref<64x128xf32, #tpu.memory_space<hbm>>
    %dma_wait3A_172 = tpu.memref_slice %arg11[%dma_wait3A_164] : memref<2x!tpu.dma_semaphore, #tpu.memory_space<semaphore_mem>> -> memref<1x!tpu.dma_semaphore, #tpu.memory_space<semaphore_mem>>
    %dma_wait3A_173 = tpu.memref_squeeze %dma_wait3A_172 : memref<1x!tpu.dma_semaphore, #tpu.memory_space<semaphore_mem>> -> memref<!tpu.dma_semaphore, #tpu.memory_space<semaphore_mem>>
    %dma_wait3A_174 = arith.constant 0 : i32
    %dma_wait3A_175 = tpu.memref_slice %arg5[%select_n3A_144, %dma_wait3A_174, %mul3A_162] : memref<50x64x16384xf32, #tpu.memory_space<hbm>> -> memref<1x64x128xf32, #tpu.memory_space<hbm>>
    %dma_wait3A_176 = tpu.memref_squeeze %dma_wait3A_175 : memref<1x64x128xf32, #tpu.memory_space<hbm>> -> memref<64x128xf32, #tpu.memory_space<hbm>>
    %dma_wait3A_177 = arith.constant 0 : i32
    %dma_wait3A_178 = arith.constant 0 : i32
    %dma_wait3A_179 = tpu.memref_slice %arg9[%dma_wait3A_163, %dma_wait3A_177, %dma_wait3A_178] : memref<2x64x128xf32, #tpu.memory_space<vmem>> -> memref<1x64x128xf32, #tpu.memory_space<vmem>>
    %dma_wait3A_180 = tpu.memref_squeeze %dma_wait3A_179 : memref<1x64x128xf32, #tpu.memory_space<vmem>> -> memref<64x128xf32, #tpu.memory_space<vmem>>
    tpu.wait_dma2 semaphore(%dma_wait3A_173 : memref<!tpu.dma_semaphore, #tpu.memory_space<semaphore_mem>>) src(%dma_wait3A_180 : memref<64x128xf32, #tpu.memory_space<vmem>>) dst(%dma_wait3A_176 : memref<64x128xf32, #tpu.memory_space<hbm>>)
    return
  }
}

</mosaic_0001>

<sc_bundles>
// kernel: kernel.3.cloned.1.call-start
scs
__scs_entry_jumppad:
0x0: {  	(pc) =	sbr.rel $0x88, $3  }
0x1: {  	(tag) =	ssettag $0x0;
	lr =	simm.s32 $0x1  }
0x2: {  	[smem:$0x3F9F] =	sst lr;
	_ =	strace $0xD0000000  }
0x3: {  	_ = 	snop  }
0x4: {  	_ = 	snop  }
0x5: {  	_ = 	snop  }
0x6: {  	_ = 	snop  }
0x7: {  	_ = 	snop  }
__scs_overlays_trampoline_lowered:
0x8: {  	[smem:$0x3FAE] =	sst s0  }
0x9: {  	[smem:$0x3FAF] =	sst s1  }
0xa: {  	[smem:$0x3FB0] =	sst s2  }
0xb: {  	[smem:$0x3FB1] =	sst s3  }
0xc: {  	[smem:$0x3FB2] =	sst s4  }
0xd: {  	[smem:$0x3FB3] =	sst s5  }
0xe: {  	[smem:$0x3FB4] =	sst s6  }
0xf: {  	[smem:$0x3FB5] =	sst s7  }
0x10: {  	[smem:$0x3FB6] =	sst s8  }
0x11: {  	[smem:$0x3FB7] =	sst s9;
	s0 =	simm.s32 @!p0 $0x0  }
0x12: {  	s1 =	sld [smem:$0x3F9D];
	s0 =	simm.s32 @p0 $0x1  }
0x13: {  	[smem:$0x3FB8] =	sst s0;
	s0 =	simm.s32 @!p1 $0x0  }
0x14: {  	s2 =	sld [smem:$0x3F9C];
	s0 =	simm.s32 @p1 $0x1  }
0x15: {  	[smem:$0x3FB9] =	sst s0;
	s0 =	simm.s32 @!p2 $0x0  }
0x16: {  	s3 =	sld [smem:$0x3FDB];
	s0 =	simm.s32 @p2 $0x1  }
0x17: {  	s4 =	simm.s32 $0x1BF5;
	[smem:$0x3FBB] =	sst s0  }
0x18: {  	s0 =	sld [smem:$0x3F9E];
	_ =	swait.ge [sflag:s4], $0x0  }
0x19: {  	s7 =	sld [smem:$0x3F9F]  }
0x1a: {  	s8 =	sadd.s32 $0xFFFFE003, lr  }
0x1b: {  	s9 =	sadd.s32 $0xFFFFFEF7, lr;
	s5 =	simm.s32 $0xFFFFFFFF;
	p2 =	slt.u32 s8, $0xFFFFF086  }
0x1c: {  	p1 =	slt.u32 s9, $0xF7A;
	s5 =	simm.s32 @!p2 $0x0  }
0x1d: {  	s5 =	simm.s32 @p1 $0x1;
	p0 =	seq.s32 s7, s2  }
0x1e: {  	s7 =	smul.u32 @!p0 $0xF7A, s2;
	p2 =	seq.s32 @!p0 s5, $0x0  }
0x1f: {  	s9 =	smul.u32 $0xF7A, s1;
	s8 =	simm.s32 @!p0 $0x1BF5;
	p2 =	por !p2, p0  }
0x20: {  	[sflag:s8] =	ssyncset.s32 @!p0 $0xFFFFF086;
	s6 =	sadd.s32 @!p0 s3, s7;
	s7 =	simm.s32 @!p0 $0x108  }
0x21: {  	s3 =	sadd.s32 s3, s9;
	s6 =	sadd.s32 @!p0 $0x88, s6;
	s7 =	simm.s32 @p2 $0x1082  }
0x22: {  	[simem:s7], [sflag:s8] =	dma.local @!p0 [hbm:s6], $0xF7A  }
0x23: {  	s9 =	sor.u32 $0xD0000000, s2;
	s6 =	simm.s32 $0x108;
	_ =	swait.ge @!p0 [sflag:s8], $0x0  }
0x24: {  	s3 =	sadd.s32 $0x88, s3;
	s6 =	simm.s32 @!p1 $0x1082;
	[sflag:s4] =	ssyncset.s32 $0xFFFFF086  }
0x25: {  	[simem:s6], [sflag:s4] =	dma.local [hbm:s3], $0xF7A  }
0x26: {  	[smem:$0x3F9F] =	sst s1;
	(tag) =	ssettag s2;
	_ =	strace s9  }
0x27: {  	s1 =	sld [smem:$0x3FAF]  }
0x28: {  	s2 =	sld [smem:$0x3FB0]  }
0x29: {  	s4 =	sld [smem:$0x3FB2]  }
0x2a: {  	p0 =	seq.s32 s5, $0x0;
	s5 =	sld [smem:$0x3FB3]  }
0x2b: {  	s6 =	sld [smem:$0x3FB4]  }
0x2c: {  	s7 =	sld [smem:$0x3FB5]  }
0x2d: {  	s3 =	simm.s32 $0x108;
	s8 =	sld [smem:$0x3FB6]  }
0x2e: {  	s3 =	simm.s32 @!p0 $0x1082;
	s9 =	sld [smem:$0x3FB7]  }
0x2f: {  	lr =	sadd.s32 s0, s3;
	s0 =	sld [smem:$0x3FAE]  }
0x30: {  	s3 =	sld [smem:$0x3FB1]  }
0x31: {  	[smem:$0x3FBA] =	sst s10  }
0x32: {  	s10 =	sld [smem:$0x3FB8];
	_ =	sdelay $0x3  }
0x33: {  	p0 =	seq.s32 s10, $0x1;
	s10 =	sld [smem:$0x3FBA];
	_ =	sdelay $0x3  }
0x34: {  	[smem:$0x3FBA] =	sst s10  }
0x35: {  	s10 =	sld [smem:$0x3FB9];
	_ =	sdelay $0x3  }
0x36: {  	p1 =	seq.s32 s10, $0x1;
	s10 =	sld [smem:$0x3FBA];
	_ =	sdelay $0x3  }
0x37: {  	[smem:$0x3FBA] =	sst s10  }
0x38: {  	s10 =	sld [smem:$0x3FBB]  }
0x39: {  	_ = 	snop;
	(pc) =	sbr.ind lr, $3  }
0x3a: {  	_ = 	snop  }
0x3b: {  	_ = 	snop  }
0x3c: {  	p2 =	seq.s32 s10, $0x1;
	s10 =	sld [smem:$0x3FBA]  }
0x3d: {  	_ =	shalt  }
0x3e: {  	_ =	shalt  }
0x3f: {  	_ =	shalt  }
0x40: {  	_ =	shalt  }
0x41: {  	_ =	shalt  }
0x42: {  	_ =	shalt  }
0x43: {  	_ =	shalt  }
0x44: {  	_ =	shalt  }
0x45: {  	_ =	shalt  }
0x46: {  	_ =	shalt  }
0x47: {  	_ =	shalt  }
0x48: {  	_ =	shalt  }
0x49: {  	_ =	shalt  }
0x4a: {  	_ =	shalt  }
0x4b: {  	_ =	shalt  }
0x4c: {  	_ =	shalt  }
0x4d: {  	_ =	shalt  }
0x4e: {  	_ =	shalt  }
0x4f: {  	_ =	shalt  }
0x50: {  	_ =	shalt  }
0x51: {  	_ =	shalt  }
0x52: {  	_ =	shalt  }
0x53: {  	_ =	shalt  }
0x54: {  	_ =	shalt  }
0x55: {  	_ =	shalt  }
0x56: {  	_ =	shalt  }
0x57: {  	_ =	shalt  }
0x58: {  	_ =	shalt  }
0x59: {  	_ =	shalt  }
0x5a: {  	_ =	shalt  }
0x5b: {  	_ =	shalt  }
0x5c: {  	_ =	shalt  }
0x5d: {  	_ =	shalt  }
0x5e: {  	_ =	shalt  }
0x5f: {  	_ =	shalt  }
0x60: {  	_ =	shalt  }
0x61: {  	_ =	shalt  }
0x62: {  	_ =	shalt  }
0x63: {  	_ =	shalt  }
0x64: {  	_ =	shalt  }
0x65: {  	_ =	shalt  }
0x66: {  	_ =	shalt  }
0x67: {  	_ =	shalt  }
0x68: {  	_ =	shalt  }
0x69: {  	_ =	shalt  }
0x6a: {  	_ =	shalt  }
0x6b: {  	_ =	shalt  }
0x6c: {  	_ =	shalt  }
0x6d: {  	_ =	shalt  }
0x6e: {  	_ =	shalt  }
0x6f: {  	_ =	shalt  }
0x70: {  	_ =	shalt  }
0x71: {  	_ =	shalt  }
0x72: {  	_ =	shalt  }
0x73: {  	_ =	shalt  }
0x74: {  	_ =	shalt  }
0x75: {  	_ =	shalt  }
0x76: {  	_ =	shalt  }
0x77: {  	_ =	shalt  }
0x78: {  	_ =	shalt  }
0x79: {  	_ =	shalt  }
0x7a: {  	_ =	shalt  }
0x7b: {  	_ =	shalt  }
0x7c: {  	_ =	shalt  }
0x7d: {  	_ =	shalt  }
0x7e: {  	_ =	shalt  }
0x7f: {  	_ =	shalt  }
0x80: {  	_ =	shalt  }
0x81: {  	_ =	shalt  }
0x82: {  	_ =	shalt  }
0x83: {  	_ =	shalt  }
0x84: {  	_ =	shalt  }
0x85: {  	_ =	shalt  }
0x86: {  	_ =	shalt  }
0x87: {  	_ =	shalt  }
.Lfunc_end0:
.L_simem_size_0:
called_computation_lowered:
.L_overlay_start_0:
0x88: {  	s2 =	sld [smem:$0x3FD9]  }
0x89: {  	s3 =	sld [smem:$0x3FFE];
	_ =	sdelay $0x1  }
0x8a: {  	s1 =	srdreg.scid  }
0x8b: {  	s0 =	sand.u32 $0x1, s1  }
0x8c: {  	s17 =	sshll.u32 s0, $0xA;
	s2 =	sadd.s32 s3, s2  }
0x8d: {  	s2 =	sadd.s32 s2, s17  }
0x8e: {  	[smem:$0x3FC6] =	sst s2  }
0x8f: {  	_ = 	snop  }
0x90: {  	s2 =	sld [smem:$0x3FD0];
	(tm) =	ssettm $0x1  }
0x91: {  	s18 =	sld [smem:$0x3FFB];
	_ =	sdelay $0x3  }
0x92: {  	_ =	strace s18  }
0x93: {  	s3 =	sld [smem:$0x3FFC];
	_ =	sdelay $0x3  }
0x94: {  	_ =	strace s3  }
0x95: {  	s3 =	sld [smem:$0x3FFD];
	_ =	sdelay $0x3  }
0x96: {  	_ =	strace s3  }
0x97: {  	_ =	strace $0x8FFFFFFF  }
0x98: {  	s19 =	sld [smem:$0x3FDB];
	_ =	sdelay $0x1  }
0x99: {  	s4 =	simm.s32 $_scs_section_size  }
0x9a: {  	s5 =	simm.s32 $_size__tile_overlayer_lowered;
	s6 =	simm.s32 $_tile_overlayer_lowered  }
0x9b: {  	s22 =	simm.s32 $0x1BFF;
	s21 =	sshll.u32 s6, $0x1;
	s3 =	sadd.s32 s4, s19  }
0x9c: {  	s7 =	simm.s32 $0x0;
	s20 =	sshll.u32 s5, $0x1;
	s5 =	sadd.s32 s21, s3  }
0x9d: {  	[timem:s7], [sflag:s22] =	dma.local [hbm:s5], s20  }
0x9e: {  	_ =	swait.ge [sflag:s22], s20  }
0x9f: {  	s4 =	ssub.s32 $0x0, s20;
	[sflag:s22] =	ssyncset.done $0x0  }
0xa0: {  	[sflag:s22] =	ssyncadd.s32 s4;
	_ =	sdelay $0x1  }
0xa1: {  	s23 =	simm.s32 $0x1B8B  }
0xa2: {  	_ =	swait.ge [sflag:s23], $0x1  }
0xa3: {  	[sflag:s23] =	ssyncset.done $0x0  }
0xa4: {  	s25 =	simm.s32 $0x1B8E;
	s24 =	sld [smem:$0x3FFE];
	[sflag:s23] =	ssyncadd.s32 $0xFFFFFFFF  }
0xa5: {  	s26 =	simm.s32 $execute0_lowered;
	[smem:$0x3FD2] =	sst s25  }
0xa6: {  	s5 =	sshll.u32 s26, $0x1;
	_ =	strace $0x80000046;
	[dreg:$0x1] =	wrdreg $0xFFFFFFFF  }
0xa7: {  	s28 =	simm.s32 $_size_execute0_lowered;
	s3 =	sadd.s32 s3, s5;
	[dreg:$0x0] =	wrdreg $0x0  }
0xa8: {  	s5 =	sshll.u32 s28, $0x1;
	[dreg:$0x2] =	wrdreg s3  }
0xa9: {  	[dreg:$0x3] =	wrdreg s5  }
0xaa: {  	[dreg:$0x4] =	wrdreg $0xC0  }
0xab: {  	_ =	task [dreg:s7], $0x5FFFF  }
0xac: {  	[dreg:$0x1] =	wrdreg $0xFFFFFFFF  }
0xad: {  	[dreg:$0x0] =	wrdreg $0x60  }
0xae: {  	[dreg:$0x2] =	wrdreg s24  }
0xaf: {  	[dreg:$0x3] =	wrdreg s2  }
0xb0: {  	[dreg:$0x4] =	wrdreg $0x9  }
0xb1: {  	_ =	task.clear_ibuf [dreg:s7], $0x5FFFF;
	_ =	strace $0x90000046  }
0xb2: {  	s29 =	simm.s32 $0x9;
	_ =	strace $0x80000048  }
0xb3: {  	_ =	swait.ge [sflag:s29], $0x1  }
0xb4: {  	[sflag:s29] =	ssyncadd.s32 $0xFFFFFFFF  }
0xb5: {  	_ =	strace $0x90000048  }
0xb6: {  	_ =	sfence  }
0xb7: {  	s30 =	sld [smem:$0x0];
	_ =	sdelay $0x2  }
0xb8: {  	s31 =	sshll.u32 s1, $0xD;
	s1 =	sshrl.u32 s1, $0x2  }
0xb9: {  	s3 =	sand.u32 $0x4000, s31;
	s1 =	sadd.s32 s1, s30  }
0xba: {  	s0 =	sor.u32 s3, s0;
	s1 =	sshll.u32 s1, $0x11  }
0xbb: {  	s0 =	sor.u32 s1, s0  }
0xbc: {  	s0 =	sadd.s32 $0x8F2B, s0  }
0xbd: {  	[sflag:s0] =	ssyncadd.remote.s32 $0x1  }
0xbe: {  	_ =	sfence.sel $0xFFFF  }
0xbf: {  	[dreg:$0x0] =	wrdreg $0xFFFFFFFF;
	(pc) =	sbr.abs _section_cstart, $3  }
0xc0: {  	[dreg:$0x1] =	wrdreg $0xFFFFFFFF  }
0xc1: {  	_ =	task.clear_ibuf [dreg:s7], $0x2FFFF;
	_ =	strace $0x9FFFFFFF  }
0xc2: {  	(tm) =	ssettm $0x7FFFFFFF  }
0xc3: {  	_ =	shalt  }
tec
execute0_lowered:
.L_overlay_start_1:
0x0: {  	(tag) =	ssettag $0x1  }
0x1: {  	s0 =	rddreg [dreg:$0x0]  }
0x2: {  	s1 =	srdreg.scid;
	s3 =	stileid.u32  }
0x3: {  	s2 =	rddreg [dreg:$0x1];
	s9 =	simm.s32 $0x5;
	s10 =	simm.s32 $0x6400  }
0x4: {  	s11 =	simm.s32 $0x80;
	s12 =	simm.s32 $0xC800;
	s13 =	simm.s32 $0x10800  }
0x5: {  	s14 =	simm.s32 $0x400;
	s15 =	simm.s32 $0x20000;
	s16 =	simm.s32 $0x3  }
0x6: {  	v0 =	vlaneseq.u32;
	s17 =	simm.s32 $0x4;
	s1 =	sand.u32 $0x1, s1;
	s4 =	sshll.u32 s3, $0x1  }
0x7: {  	s18 =	simm.s32 $0x0;
	s3 =	simm.s32 $0x0;
	v0 =	vmul.u32 $0x80, v0;
	s5 =	sor.u32 s1, s4  }
0x8: {  	[smem:$0x7FF] =	sst s3;
	s1 =	ssub.s32 $0x2, s1;
	s4 =	smul.u32 $0xC80, s5  }
0x9: {  	_ =	strace $0x80000047;
	s31 =	sshrl.u32 s1, $0x1;
	s5 =	smul.u32 $0xC8, s5;
	v1 =	vor.u32 $0x800, v0  }
0xa: {  	v2 =	vor.u32 $0x1000, v0;
	v3 =	vor.u32 $0x1800, v0;
	v4 =	vor.u32 $0x2000, v0;
	s7 =	sadd.s32 s4, s0;
	s4 =	sadd.s32 $0xF74A00, s0;
	s0 =	ssub.s32 s1, s31  }
0xb: {  	v5 =	vor.u32 $0x2800, v0;
	v6 =	vor.u32 $0x3000, v0;
	v7 =	vor.u32 $0x3800, v0;
	s6 =	sadd.s32 $0x19600, s7;
	s7 =	sadd.s32 $0x600, s7;
	s8 =	smax.u32 s0, $0x1  }
.LBB2_1:
0xc: {  	[tilespmem:s3], [sflag:$0x5] =	stream.linear.gather [hbm4b:s6+s3], $0x6400, $0x38;
	[tilespmem:$0x1C800] =	vst v63  }
0xd: {  	_ =	swait.ge [sflag:s9], $0x6400  }
0xe: {  	[sflag:s9] =	ssyncset.done $0x0  }
0xf: {  	[sflag:s9] =	ssyncadd.s32 $0xFFFF9C00  }
0x10: {  	[tilespmem:s10], [sflag:$0x5] =	stream.linear.gather [hbm4b:s7+s3], $0x6400, $0x38;
	[tilespmem:$0x1C800] =	vst v63  }
0x11: {  	_ =	swait.ge [sflag:s9], $0x6400  }
0x12: {  	[sflag:s9] =	ssyncset.done $0x0  }
0x13: {  	[sflag:s9] =	ssyncadd.s32 $0xFFFF9C00  }
0x14: {  	[tilespmem:s12], [sflag:$0x1] =	stream.indirect.gather [hbm4b:s4+s11], $0x80, s3, s11, $0xb8;
	[tilespmem:$0x1C800] =	vst v63  }
0x15: {  	p0 =	por $0x0, $0x0;
	s19 =	simm.s32 $0x0  }
0x16: {  	[tilespmem:s13], [sflag:$0x2] =	stream.indirect.gather [hbm4b:s4+s11], $0x80, s11, s11, $0xb8;
	[tilespmem:$0x1C800] =	vst v63  }
.LBB2_2:
0x17: {  	p1 =	sgt.u32 s19, $0xC5  }
0x18: {  	s20 =	smul.u32 $0xAB, s19;
	s0 =	sadd.s32 @!p1 $0x2, s19  }
0x19: {  	s1 =	smul.u32 @!p1 $0xAB, s0  }
0x1a: {  	s20 =	sshrl.u32 s20, $0x9  }
0x1b: {  	s20 =	sand.u32 $0x7F, s20;
	s1 =	sshrl.u32 @!p1 s1, $0x9  }
0x1c: {  	s20 =	smul.u32 $0x3, s20;
	s1 =	sand.u32 @!p1 $0x7F, s1  }
0x1d: {  	s1 =	smul.u32 @!p1 $0x3, s1;
	_ =	sdelay $0x1  }
0x1e: {  	s20 =	ssub.s32 s19, s20;
	s1 =	ssub.s32 @!p1 s0, s1  }
0x1f: {  	s24 =	sand.u32 $0xFF, s20;
	s0 =	sshll.u32 @!p1 s0, $0x7;
	s1 =	sand.u32 @!p1 $0xFF, s1  }
0x20: {  	s26 =	sadd.s32 $0x1, s24;
	s0 =	sand.u32 @!p1 $0x3FFFFF80, s0;
	s21 =	sshll.u32 @!p1 s1, $0xE  }
0x21: {  	s1 =	sadd.s32 @!p1 $0x1, s1;
	s20 =	sadd.s32 @!p1 $0xC800, s21;
	s21 =	simm.s32 @!p1 $0x80  }
0x22: {  	[tilespmem:s20], [sflag:s1] =	stream.indirect.gather @!p1 [hbm4b:s4+s21], $0x80, s0, s21, $0xb8;
	[tilespmem:$0x1C800] =	vst v63  }
0x23: {  	_ =	swait.ge [sflag:s26], $0x4000  }
0x24: {  	s20 =	sand.u32 $0x1, s19;
	p1 =	slt.u32 s19, $0x2;
	[sflag:s26] =	ssyncset.done $0x0  }
0x25: {  	s0 =	sadd.s32 @!p1 $0x3, s20;
	[sflag:s26] =	ssyncadd.s32 $0xFFFFC000  }
0x26: {  	_ =	swait.ge @!p1 [sflag:s0], $0x2000  }
0x27: {  	s28 =	sshll.u32 s19, $0x7;
	[sflag:s0] =	ssyncset.done @!p1 $0x0  }
0x28: {  	s29 =	sand.u32 $0x3FFFFF80, s28;
	[sflag:s0] =	ssyncadd.s32 @!p1 $0xFFFFE000  }
0x29: {  	v15 =	vld [tilespmem:s29+$0x6400];
	_ =	sdelay $0x3  }
0x2a: {  	s22 =	simm.s32 $0x1;
	v14 =	vld [tilespmem:s29+$0x6410]  }
0x2b: {  	s25 =	simm.s32 $0x3;
	v13 =	vld [tilespmem:s29+$0x6420];
	v9 =	vadd.s32 s22, v15  }
0x2c: {  	s26 =	simm.s32 $0x4;
	s0 =	simm.s32 $0x0;
	v12 =	vld [tilespmem:s29+$0x6430];
	v20 =	vadd.s32 s25, v15;
	v18 =	vadd.s32 v0, v9  }
0x2d: {  	s23 =	simm.s32 $0x7;
	v11 =	vld [tilespmem:s29+$0x6440];
	v8 =	vadd.s32 s0, v15;
	v21 =	vadd.s32 s26, v15;
	v20 =	vadd.s32 v0, v20  }
0x2e: {  	s30 =	simm.s32 $0x2;
	s28 =	simm.s32 $0x5;
	v10 =	vld [tilespmem:s29+$0x6450];
	v16 =	vadd.s32 v0, v8;
	v8 =	vadd.s32 s23, v15;
	v21 =	vadd.s32 v0, v21  }
0x2f: {  	s24 =	sshll.u32 s24, $0xE;
	v22 =	vadd.s32 s28, v15;
	v9 =	vld [tilespmem:s29+$0x6460];
	v17 =	vadd.s32 v0, v8;
	v8 =	vadd.s32 s30, v15  }
0x30: {  	s21 =	sadd.s32 $0xC800, s24;
	v22 =	vadd.s32 v0, v22;
	v19 =	vadd.s32 v0, v8;
	v8 =	vld [tilespmem:s29+$0x6470]  }
0x31: {  	s29 =	simm.s32 $0x6;
	v18 =	vld.idx.msk [tilespmem:v18+s21+$0x0], $0xffff  }
0x32: {  	s24 =	simm.s32 $0x1;
	v23 =	vadd.s32 s29, v15;
	v20 =	vld.idx.msk [tilespmem:v20+s21+$0x0], $0xffff  }
0x33: {  	s24 =	simm.s32 @!p0 $0x0;
	v25 =	vadd.s32 s22, v14;
	v23 =	vadd.s32 v0, v23;
	v21 =	vld.idx.msk [tilespmem:v21+s21+$0x0], $0xffff  }
0x34: {  	s24 =	sshll.u32 s24, $0xD;
	v27 =	vadd.s32 s25, v14;
	v25 =	vadd.s32 v1, v25;
	v17 =	vld.idx.msk [tilespmem:v17+s21+$0x0], $0xffff  }
0x35: {  	s24 =	sor.u32 $0x18A00, s24;
	v24 =	vadd.s32 s23, v14;
	v27 =	vadd.s32 v1, v27;
	v22 =	vld.idx.msk [tilespmem:v22+s21+$0x0], $0xffff  }
0x36: {  	v28 =	vadd.s32 s26, v14;
	v24 =	vadd.s32 v1, v24;
	v19 =	vld.idx.msk [tilespmem:v19+s21+$0x0], $0xffff;
	[tilespmem:s24+$0xFFFFFE80] =	vst v18  }
0x37: {  	v26 =	vadd.s32 s30, v14;
	v28 =	vadd.s32 v1, v28;
	v16 =	vld.idx.msk [tilespmem:v16+s21+$0x0], $0xffff;
	[tilespmem:s24+$0xFFFFFF80] =	vst v20  }
0x38: {  	v29 =	vadd.s32 s28, v14;
	v26 =	vadd.s32 v1, v26;
	v23 =	vld.idx.msk [tilespmem:v23+s21+$0x0], $0xffff;
	[tilespmem:s24+$0x0] =	vst v21  }
0x39: {  	v18 =	vadd.s32 s29, v14;
	[tilespmem:s24+$0x180] =	vst v17;
	v17 =	vadd.s32 v1, v29;
	v25 =	vld.idx.msk [tilespmem:v25+s21+$0x0], $0xffff  }
0x3a: {  	[tilespmem:s24+$0x80] =	vst v22;
	v18 =	vadd.s32 v1, v18;
	v29 =	vadd.s32 s0, v14;
	v27 =	vld.idx.msk [tilespmem:v27+s21+$0x0], $0xffff  }
0x3b: {  	v24 =	vld.idx.msk [tilespmem:v24+s21+$0x0], $0xffff;
	[tilespmem:s24+$0xFFFFFF00] =	vst v19;
	v19 =	vadd.s32 s23, v13;
	v20 =	vadd.s32 v1, v29  }
0x3c: {  	[tilespmem:s24+$0xFFFFFE00] =	vst v16;
	v28 =	vld.idx.msk [tilespmem:v28+s21+$0x0], $0xffff;
	v29 =	vadd.s32 s22, v13;
	v19 =	vadd.s32 v2, v19  }
0x3d: {  	v26 =	vld.idx.msk [tilespmem:v26+s21+$0x0], $0xffff;
	v21 =	vadd.s32 v2, v29;
	v29 =	vadd.s32 s30, v13;
	[tilespmem:s24+$0x100] =	vst v23  }
0x3e: {  	v22 =	vadd.s32 v2, v29;
	v29 =	vadd.s32 s25, v13;
	v17 =	vld.idx.msk [tilespmem:v17+s21+$0x0], $0xffff;
	[tilespmem:s24+$0xFFFFFE90] =	vst v25  }
0x3f: {  	v23 =	vadd.s32 v2, v29;
	v29 =	vadd.s32 s26, v13;
	v18 =	vld.idx.msk [tilespmem:v18+s21+$0x0], $0xffff;
	[tilespmem:s24+$0xFFFFFF90] =	vst v27  }
0x40: {  	v16 =	vadd.s32 v2, v29;
	[tilespmem:s24+$0x190] =	vst v24;
	v24 =	vadd.s32 s28, v13;
	v20 =	vld.idx.msk [tilespmem:v20+s21+$0x0], $0xffff  }
0x41: {  	v29 =	vadd.s32 s0, v13;
	[tilespmem:s24+$0x10] =	vst v28;
	v19 =	vld.idx.msk [tilespmem:v19+s21+$0x0], $0xffff;
	v24 =	vadd.s32 v2, v24  }
0x42: {  	v25 =	vadd.s32 s23, v12;
	v27 =	vadd.s32 v2, v29;
	v21 =	vld.idx.msk [tilespmem:v21+s21+$0x0], $0xffff;
	[tilespmem:s24+$0xFFFFFF10] =	vst v26  }
0x43: {  	v25 =	vadd.s32 v3, v25;
	v26 =	vadd.s32 s29, v13;
	v22 =	vld.idx.msk [tilespmem:v22+s21+$0x0], $0xffff;
	[tilespmem:s24+$0x90] =	vst v17  }
0x44: {  	v29 =	vadd.s32 s22, v12;
	v26 =	vadd.s32 v2, v26;
	v23 =	vld.idx.msk [tilespmem:v23+s21+$0x0], $0xffff;
	[tilespmem:s24+$0x110] =	vst v18  }
0x45: {  	v28 =	vadd.s32 v3, v29;
	v29 =	vadd.s32 s30, v12;
	v16 =	vld.idx.msk [tilespmem:v16+s21+$0x0], $0xffff;
	[tilespmem:s24+$0xFFFFFE10] =	vst v20  }
0x46: {  	v17 =	vadd.s32 v3, v29;
	v29 =	vadd.s32 s25, v12;
	v24 =	vld.idx.msk [tilespmem:v24+s21+$0x0], $0xffff;
	[tilespmem:s24+$0x1A0] =	vst v19  }
0x47: {  	v19 =	vadd.s32 v3, v29;
	v29 =	vadd.s32 s26, v12;
	v27 =	vld.idx.msk [tilespmem:v27+s21+$0x0], $0xffff;
	[tilespmem:s24+$0xFFFFFEA0] =	vst v21  }
0x48: {  	v21 =	vadd.s32 s28, v12;
	v18 =	vld.idx.msk [tilespmem:v25+s21+$0x0], $0xffff;
	v20 =	vadd.s32 v3, v29;
	[tilespmem:s24+$0xFFFFFF20] =	vst v22  }
0x49: {  	v25 =	vld.idx.msk [tilespmem:v26+s21+$0x0], $0xffff;
	v26 =	vadd.s32 s23, v11;
	v21 =	vadd.s32 v3, v21;
	[tilespmem:s24+$0xFFFFFFA0] =	vst v23  }
0x4a: {  	v28 =	vld.idx.msk [tilespmem:v28+s21+$0x0], $0xffff;
	v22 =	vadd.s32 s29, v12;
	v26 =	vadd.s32 v4, v26;
	[tilespmem:s24+$0x20] =	vst v16  }
0x4b: {  	v29 =	vadd.s32 s0, v12;
	v22 =	vadd.s32 v3, v22;
	v17 =	vld.idx.msk [tilespmem:v17+s21+$0x0], $0xffff;
	[tilespmem:s24+$0xA0] =	vst v24  }
0x4c: {  	v23 =	vadd.s32 v3, v29;
	v29 =	vadd.s32 s22, v11;
	v19 =	vld.idx.msk [tilespmem:v19+s21+$0x0], $0xffff;
	[tilespmem:s24+$0xFFFFFE20] =	vst v27  }
0x4d: {  	v16 =	vadd.s32 v4, v29;
	v29 =	vadd.s32 s30, v11;
	v20 =	vld.idx.msk [tilespmem:v20+s21+$0x0], $0xffff;
	[tilespmem:s24+$0x1B0] =	vst v18  }
0x4e: {  	v18 =	vadd.s32 v4, v29;
	v29 =	vadd.s32 s25, v11;
	v21 =	vld.idx.msk [tilespmem:v21+s21+$0x0], $0xffff;
	[tilespmem:s24+$0x120] =	vst v25  }
0x4f: {  	v27 =	vadd.s32 s26, v11;
	[tilespmem:s24+$0xFFFFFEB0] =	vst v28;
	v24 =	vld.idx.msk [tilespmem:v26+s21+$0x0], $0xffff;
	v26 =	vadd.s32 v4, v29  }
0x50: {  	v25 =	vadd.s32 s23, v10;
	v27 =	vadd.s32 v4, v27;
	v22 =	vld.idx.msk [tilespmem:v22+s21+$0x0], $0xffff;
	[tilespmem:s24+$0xFFFFFF30] =	vst v17  }
0x51: {  	v28 =	vadd.s32 s28, v11;
	v25 =	vadd.s32 v5, v25;
	v23 =	vld.idx.msk [tilespmem:v23+s21+$0x0], $0xffff;
	[tilespmem:s24+$0xFFFFFFB0] =	vst v19  }
0x52: {  	v16 =	vld.idx.msk [tilespmem:v16+s21+$0x0], $0xffff;
	v17 =	vadd.s32 v4, v28;
	v28 =	vadd.s32 s29, v11;
	[tilespmem:s24+$0x30] =	vst v20  }
0x53: {  	v29 =	vadd.s32 s0, v11;
	v19 =	vadd.s32 v4, v28;
	v18 =	vld.idx.msk [tilespmem:v18+s21+$0x0], $0xffff;
	[tilespmem:s24+$0xB0] =	vst v21  }
0x54: {  	v28 =	vadd.s32 v4, v29;
	v29 =	vadd.s32 s22, v10;
	v26 =	vld.idx.msk [tilespmem:v26+s21+$0x0], $0xffff;
	[tilespmem:s24+$0x1C0] =	vst v24  }
0x55: {  	v24 =	vadd.s32 v5, v29;
	v29 =	vadd.s32 s30, v10;
	v27 =	vld.idx.msk [tilespmem:v27+s21+$0x0], $0xffff;
	[tilespmem:s24+$0x130] =	vst v22  }
0x56: {  	[tilespmem:s24+$0xFFFFFE30] =	vst v23;
	v23 =	vadd.s32 s26, v10;
	v20 =	vld.idx.msk [tilespmem:v25+s21+$0x0], $0xffff;
	v25 =	vadd.s32 v5, v29  }
0x57: {  	v21 =	vadd.s32 s23, v9;
	v17 =	vld.idx.msk [tilespmem:v17+s21+$0x0], $0xffff;
	[tilespmem:s24+$0xFFFFFEC0] =	vst v16;
	v16 =	vadd.s32 v5, v23  }
0x58: {  	v21 =	vadd.s32 v6, v21;
	v29 =	vadd.s32 s25, v10;
	v19 =	vld.idx.msk [tilespmem:v19+s21+$0x0], $0xffff  }
0x59: {  	v23 =	vadd.s32 s28, v10;
	v22 =	vadd.s32 v5, v29;
	v28 =	vld.idx.msk [tilespmem:v28+s21+$0x0], $0xffff  }
0x5a: {  	[tilespmem:s24+$0xFFFFFF40] =	vst v18;
	v18 =	vadd.s32 v5, v23;
	v23 =	vadd.s32 s29, v10;
	v24 =	vld.idx.msk [tilespmem:v24+s21+$0x0], $0xffff  }
0x5b: {  	v29 =	vadd.s32 s0, v10;
	v23 =	vadd.s32 v5, v23;
	[tilespmem:s24+$0x40] =	vst v27;
	v25 =	vld.idx.msk [tilespmem:v25+s21+$0x0], $0xffff  }
0x5c: {  	[tilespmem:s24+$0x1D0] =	vst v20;
	v20 =	vadd.s32 v5, v29;
	v29 =	vadd.s32 s22, v9;
	v16 =	vld.idx.msk [tilespmem:v16+s21+$0x0], $0xffff  }
0x5d: {  	[tilespmem:s24+$0xFFFFFFC0] =	vst v26;
	v27 =	vadd.s32 s23, v8;
	v21 =	vld.idx.msk [tilespmem:v21+s21+$0x0], $0xffff;
	v26 =	vadd.s32 v6, v29  }
0x5e: {  	[tilespmem:s24+$0xC0] =	vst v17;
	v17 =	vadd.s32 v7, v27;
	v22 =	vld.idx.msk [tilespmem:v22+s21+$0x0], $0xffff;
	v29 =	vadd.s32 s30, v9  }
0x5f: {  	v27 =	vadd.s32 v6, v29;
	v29 =	vadd.s32 s25, v9;
	[tilespmem:s24+$0x140] =	vst v19;
	v18 =	vld.idx.msk [tilespmem:v18+s21+$0x0], $0xffff  }
0x60: {  	[tilespmem:s24+$0xFFFFFE40] =	vst v28;
	v28 =	vadd.s32 s26, v9;
	v19 =	vadd.s32 v6, v29;
	v23 =	vld.idx.msk [tilespmem:v23+s21+$0x0], $0xffff  }
0x61: {  	[tilespmem:s24+$0xFFFFFED0] =	vst v24;
	v24 =	vadd.s32 s28, v9;
	v29 =	vld.idx.msk [tilespmem:v20+s21+$0x0], $0xffff;
	v20 =	vadd.s32 v6, v28  }
0x62: {  	v24 =	vadd.s32 v6, v24;
	v28 =	vadd.s32 s29, v9;
	v26 =	vld.idx.msk [tilespmem:v26+s21+$0x0], $0xffff;
	[tilespmem:s24+$0x1E0] =	vst v21  }
0x63: {  	s23 =	simm.s32 $0x8;
	[tilespmem:s24+$0xFFFFFF50] =	vst v25;
	v21 =	vadd.s32 s0, v9;
	v25 =	vadd.s32 v6, v28;
	v28 =	vld.idx.msk [tilespmem:v17+s21+$0x0], $0xffff  }
0x64: {  	[tilespmem:s24+$0xFFFFFFD0] =	vst v22;
	v17 =	vadd.s32 s23, v15;
	v30 =	vadd.s32 v6, v21;
	v31 =	vld.idx.msk [tilespmem:v27+s21+$0x0], $0xffff  }
0x65: {  	[tilespmem:s24+$0x50] =	vst v16;
	v22 =	vadd.s32 v0, v17;
	v17 =	vadd.s32 s22, v8;
	v21 =	vld.idx.msk [tilespmem:v19+s21+$0x0], $0xffff  }
0x66: {  	v16 =	vadd.s32 s30, v8;
	[tilespmem:s24+$0xD0] =	vst v18;
	v32 =	vadd.s32 v7, v17;
	v20 =	vld.idx.msk [tilespmem:v20+s21+$0x0], $0xffff  }
0x67: {  	v27 =	vadd.s32 v7, v16;
	[tilespmem:s24+$0x150] =	vst v23;
	v17 =	vadd.s32 s25, v8;
	v18 =	vld.idx.msk [tilespmem:v24+s21+$0x0], $0xffff  }
0x68: {  	v16 =	vadd.s32 s26, v8;
	[tilespmem:s24+$0xFFFFFE50] =	vst v29;
	v24 =	vadd.s32 v7, v17;
	v19 =	vld.idx.msk [tilespmem:v25+s21+$0x0], $0xffff  }
0x69: {  	v23 =	vadd.s32 v7, v16;
	v25 =	vadd.s32 s28, v8;
	[tilespmem:s24+$0xFFFFFEE0] =	vst v26;
	v17 =	vld.idx.msk [tilespmem:v30+s21+$0x0], $0xffff  }
0x6a: {  	s31 =	sshll.u32 s20, $0xD;
	v26 =	vadd.s32 s29, v8;
	[tilespmem:s24+$0x1F0] =	vst v28;
	v25 =	vadd.s32 v7, v25;
	v16 =	vld.idx.msk [tilespmem:v22+s21+$0x0], $0xffff  }
0x6b: {  	s26 =	simm.s32 $0x10;
	s22 =	sor.u32 $0x18800, s31;
	s25 =	simm.s32 $0xF;
	v28 =	vadd.s32 s0, v8;
	[tilespmem:s24+$0xFFFFFF60] =	vst v31;
	v26 =	vadd.s32 v7, v26;
	v22 =	vld.idx.msk [tilespmem:v32+s21+$0x0], $0xffff  }
.LBB2_3:
0x6c: {  	p1 =	slt.u32 s26, $0x38;
	s28 =	sadd.s32 $0x1, s23;
	v29 =	vadd.s32 s25, v15;
	v28 =	vadd.s32 v7, v28;
	v27 =	vld.idx.msk [tilespmem:v27+s21+$0x0], $0xffff;
	[tilespmem:s24+$0xFFFFFFE0] =	vst v21  }
0x6d: {  	s29 =	sadd.s32 $0x2, s23;
	v21 =	vadd.s32 s28, v15;
	v29 =	vadd.s32 v0, v29;
	v24 =	vld.idx.msk [tilespmem:v24+s21+$0x0], $0xffff;
	[tilespmem:s24+$0x60] =	vst v20  }
0x6e: {  	s30 =	sadd.s32 $0x3, s23;
	v20 =	vadd.s32 v0, v21;
	v21 =	vadd.s32 s29, v15;
	v23 =	vld.idx.msk [tilespmem:v23+s21+$0x0], $0xffff;
	[tilespmem:s24+$0xE0] =	vst v18  }
0x6f: {  	s31 =	sadd.s32 $0x4, s23;
	v18 =	vadd.s32 v0, v21;
	v21 =	vadd.s32 s30, v15;
	v25 =	vld.idx.msk [tilespmem:v25+s21+$0x0], $0xffff;
	[tilespmem:s24+$0x160] =	vst v19  }
0x70: {  	s1 =	sadd.s32 $0x5, s23;
	v19 =	vadd.s32 v0, v21;
	v21 =	vadd.s32 s31, v15;
	[tilespmem:s24+$0xFFFFFE60] =	vst v17;
	v17 =	vld.idx.msk [tilespmem:v26+s21+$0x0], $0xffff  }
0x71: {  	s0 =	sadd.s32 $0x6, s23;
	v26 =	vadd.s32 s1, v15;
	v21 =	vadd.s32 v0, v21;
	v28 =	vld.idx.msk [tilespmem:v28+s21+$0x0], $0xffff;
	[tilespmem:s24+$0xFFFFFEF0] =	vst v22  }
0x72: {  	v22 =	vadd.s32 v0, v26;
	v26 =	vadd.s32 s0, v15;
	v29 =	vld.idx.msk [tilespmem:v29+s21+$0x0], $0xffff;
	[tilespmem:s24+$0xFFFFFF70] =	vst v27  }
0x73: {  	v26 =	vadd.s32 v0, v26;
	v27 =	vadd.s32 s25, v14;
	v20 =	vld.idx.msk [tilespmem:v20+s21+$0x0], $0xffff;
	[tilespmem:s24+$0xFFFFFFF0] =	vst v24  }
0x74: {  	v24 =	vadd.s32 s28, v14;
	v27 =	vadd.s32 v1, v27;
	v18 =	vld.idx.msk [tilespmem:v18+s21+$0x0], $0xffff;
	[tilespmem:s24+$0x70] =	vst v23  }
0x75: {  	v23 =	vadd.s32 v1, v24;
	v24 =	vadd.s32 s29, v14;
	v19 =	vld.idx.msk [tilespmem:v19+s21+$0x0], $0xffff;
	[tilespmem:s24+$0xF0] =	vst v25  }
0x76: {  	v24 =	vadd.s32 v1, v24;
	v25 =	vadd.s32 s30, v14;
	v21 =	vld.idx.msk [tilespmem:v21+s21+$0x0], $0xffff;
	[tilespmem:s24+$0x170] =	vst v17  }
0x77: {  	v17 =	vadd.s32 v1, v25;
	v25 =	vadd.s32 s31, v14;
	v22 =	vld.idx.msk [tilespmem:v22+s21+$0x0], $0xffff;
	[tilespmem:s24+$0xFFFFFE70] =	vst v28;
	s24 =	sadd.s32 $0x400, s24  }
0x78: {  	v25 =	vadd.s32 v1, v25;
	v28 =	vadd.s32 s1, v14;
	v26 =	vld.idx.msk [tilespmem:v26+s21+$0x0], $0xffff;
	[tilespmem:s24+$0x180] =	vst v29  }
0x79: {  	[tilespmem:s24+$0xFFFFFE80] =	vst v20;
	v20 =	vadd.s32 v1, v28;
	v28 =	vadd.s32 s0, v14;
	v27 =	vld.idx.msk [tilespmem:v27+s21+$0x0], $0xffff  }
0x7a: {  	v23 =	vld.idx.msk [tilespmem:v23+s21+$0x0], $0xffff;
	[tilespmem:s24+$0xFFFFFF00] =	vst v18;
	v18 =	vadd.s32 v1, v28;
	v28 =	vadd.s32 s25, v13  }
0x7b: {  	v29 =	vadd.s32 s23, v14;
	v24 =	vld.idx.msk [tilespmem:v24+s21+$0x0], $0xffff;
	[tilespmem:s24+$0xFFFFFF80] =	vst v19;
	v19 =	vadd.s32 v2, v28  }
0x7c: {  	v28 =	vadd.s32 v1, v29;
	v29 =	vadd.s32 s28, v13;
	v17 =	vld.idx.msk [tilespmem:v17+s21+$0x0], $0xffff;
	[tilespmem:s24+$0x0] =	vst v21  }
0x7d: {  	v21 =	vadd.s32 v2, v29;
	v29 =	vadd.s32 s29, v13;
	v25 =	vld.idx.msk [tilespmem:v25+s21+$0x0], $0xffff;
	[tilespmem:s24+$0x80] =	vst v22  }
0x7e: {  	v22 =	vadd.s32 v2, v29;
	v29 =	vadd.s32 s30, v13;
	v20 =	vld.idx.msk [tilespmem:v20+s21+$0x0], $0xffff;
	[tilespmem:s24+$0x100] =	vst v26  }
0x7f: {  	v26 =	vadd.s32 v2, v29;
	v29 =	vadd.s32 s31, v13;
	v18 =	vld.idx.msk [tilespmem:v18+s21+$0x0], $0xffff;
	[tilespmem:s24+$0x190] =	vst v27  }
0x80: {  	v27 =	vadd.s32 s1, v13;
	[tilespmem:s24+$0xFFFFFE00] =	vst v16;
	v16 =	vadd.s32 v2, v29;
	v19 =	vld.idx.msk [tilespmem:v19+s21+$0x0], $0xffff  }
0x81: {  	v28 =	vld.idx.msk [tilespmem:v28+s21+$0x0], $0xffff;
	[tilespmem:s24+$0xFFFFFE90] =	vst v23;
	v23 =	vadd.s32 v2, v27;
	v27 =	vadd.s32 s25, v12  }
0x82: {  	v21 =	vld.idx.msk [tilespmem:v21+s21+$0x0], $0xffff;
	[tilespmem:s24+$0xFFFFFF10] =	vst v24;
	v24 =	vadd.s32 s0, v13;
	v27 =	vadd.s32 v3, v27  }
0x83: {  	v29 =	vadd.s32 s23, v13;
	v22 =	vld.idx.msk [tilespmem:v22+s21+$0x0], $0xffff;
	[tilespmem:s24+$0xFFFFFF90] =	vst v17;
	v17 =	vadd.s32 v2, v24  }
0x84: {  	v24 =	vadd.s32 v2, v29;
	v29 =	vadd.s32 s28, v12;
	v26 =	vld.idx.msk [tilespmem:v26+s21+$0x0], $0xffff;
	[tilespmem:s24+$0x10] =	vst v25  }
0x85: {  	v25 =	vadd.s32 v3, v29;
	v29 =	vadd.s32 s29, v12;
	v16 =	vld.idx.msk [tilespmem:v16+s21+$0x0], $0xffff;
	[tilespmem:s24+$0x90] =	vst v20  }
0x86: {  	v20 =	vadd.s32 v3, v29;
	v29 =	vadd.s32 s30, v12;
	v23 =	vld.idx.msk [tilespmem:v23+s21+$0x0], $0xffff;
	[tilespmem:s24+$0x1A0] =	vst v19  }
0x87: {  	v19 =	vadd.s32 v3, v29;
	v29 =	vadd.s32 s31, v12;
	[tilespmem:s24+$0x110] =	vst v18;
	v18 =	vld.idx.msk [tilespmem:v27+s21+$0x0], $0xffff  }
0x88: {  	v27 =	vadd.s32 v3, v29;
	[tilespmem:s24+$0xFFFFFE10] =	vst v28;
	v17 =	vld.idx.msk [tilespmem:v17+s21+$0x0], $0xffff;
	v28 =	vadd.s32 s25, v11  }
0x89: {  	v24 =	vld.idx.msk [tilespmem:v24+s21+$0x0], $0xffff;
	[tilespmem:s24+$0xFFFFFEA0] =	vst v21;
	v21 =	vadd.s32 s1, v12;
	v28 =	vadd.s32 v4, v28  }
0x8a: {  	v25 =	vld.idx.msk [tilespmem:v25+s21+$0x0], $0xffff;
	[tilespmem:s24+$0xFFFFFF20] =	vst v22;
	v21 =	vadd.s32 v3, v21;
	v22 =	vadd.s32 s0, v12  }
0x8b: {  	v29 =	vadd.s32 s23, v12;
	v20 =	vld.idx.msk [tilespmem:v20+s21+$0x0], $0xffff;
	[tilespmem:s24+$0xFFFFFFA0] =	vst v26;
	v22 =	vadd.s32 v3, v22  }
0x8c: {  	v26 =	vadd.s32 v3, v29;
	v29 =	vadd.s32 s28, v11;
	v19 =	vld.idx.msk [tilespmem:v19+s21+$0x0], $0xffff;
	[tilespmem:s24+$0x20] =	vst v16  }
0x8d: {  	v16 =	vadd.s32 v4, v29;
	v29 =	vadd.s32 s29, v11;
	v27 =	vld.idx.msk [tilespmem:v27+s21+$0x0], $0xffff;
	[tilespmem:s24+$0x1B0] =	vst v18  }
0x8e: {  	v18 =	vadd.s32 v4, v29;
	v29 =	vadd.s32 s30, v11;
	[tilespmem:s24+$0xA0] =	vst v23;
	v23 =	vld.idx.msk [tilespmem:v28+s21+$0x0], $0xffff  }
0x8f: {  	v28 =	vadd.s32 v4, v29;
	v21 =	vld.idx.msk [tilespmem:v21+s21+$0x0], $0xffff;
	[tilespmem:s24+$0x120] =	vst v17;
	v17 =	vadd.s32 s25, v10  }
0x90: {  	[tilespmem:s24+$0xFFFFFE20] =	vst v24;
	v24 =	vadd.s32 s31, v11;
	v22 =	vld.idx.msk [tilespmem:v22+s21+$0x0], $0xffff;
	v17 =	vadd.s32 v5, v17  }
0x91: {  	v26 =	vld.idx.msk [tilespmem:v26+s21+$0x0], $0xffff;
	[tilespmem:s24+$0xFFFFFEB0] =	vst v25;
	v24 =	vadd.s32 v4, v24;
	v25 =	vadd.s32 s1, v11  }
0x92: {  	v16 =	vld.idx.msk [tilespmem:v16+s21+$0x0], $0xffff;
	[tilespmem:s24+$0xFFFFFF30] =	vst v20;
	v20 =	vadd.s32 v4, v25;
	v25 =	vadd.s32 s0, v11  }
0x93: {  	v29 =	vadd.s32 s23, v11;
	v18 =	vld.idx.msk [tilespmem:v18+s21+$0x0], $0xffff;
	[tilespmem:s24+$0xFFFFFFB0] =	vst v19;
	v19 =	vadd.s32 v4, v25  }
0x94: {  	v25 =	vadd.s32 v4, v29;
	v29 =	vadd.s32 s28, v10;
	v28 =	vld.idx.msk [tilespmem:v28+s21+$0x0], $0xffff;
	[tilespmem:s24+$0x1C0] =	vst v23  }
0x95: {  	v23 =	vadd.s32 v5, v29;
	v29 =	vadd.s32 s29, v10;
	[tilespmem:s24+$0x30] =	vst v27;
	v17 =	vld.idx.msk [tilespmem:v17+s21+$0x0], $0xffff  }
0x96: {  	v27 =	vadd.s32 v5, v29;
	v24 =	vld.idx.msk [tilespmem:v24+s21+$0x0], $0xffff;
	[tilespmem:s24+$0xB0] =	vst v21;
	v21 =	vadd.s32 s25, v9  }
0x97: {  	v29 =	vadd.s32 s30, v10;
	v20 =	vld.idx.msk [tilespmem:v20+s21+$0x0], $0xffff;
	[tilespmem:s24+$0x130] =	vst v22;
	v21 =	vadd.s32 v6, v21  }
0x98: {  	v22 =	vadd.s32 v5, v29;
	[tilespmem:s24+$0xFFFFFE30] =	vst v26;
	v26 =	vadd.s32 s31, v10;
	v19 =	vld.idx.msk [tilespmem:v19+s21+$0x0], $0xffff  }
0x99: {  	v25 =	vld.idx.msk [tilespmem:v25+s21+$0x0], $0xffff;
	[tilespmem:s24+$0xFFFFFEC0] =	vst v16;
	v16 =	vadd.s32 v5, v26;
	v26 =	vadd.s32 s1, v10  }
0x9a: {  	v23 =	vld.idx.msk [tilespmem:v23+s21+$0x0], $0xffff;
	[tilespmem:s24+$0xFFFFFF40] =	vst v18;
	v18 =	vadd.s32 v5, v26;
	v26 =	vadd.s32 s0, v10  }
0x9b: {  	v29 =	vadd.s32 s23, v10;
	v27 =	vld.idx.msk [tilespmem:v27+s21+$0x0], $0xffff;
	v26 =	vadd.s32 v5, v26;
	[tilespmem:s24+$0x1D0] =	vst v17  }
0x9c: {  	v17 =	vadd.s32 v5, v29;
	v29 =	vadd.s32 s28, v9;
	[tilespmem:s24+$0xFFFFFFC0] =	vst v28;
	v21 =	vld.idx.msk [tilespmem:v21+s21+$0x0], $0xffff  }
0x9d: {  	v28 =	vadd.s32 v6, v29;
	v22 =	vld.idx.msk [tilespmem:v22+s21+$0x0], $0xffff;
	[tilespmem:s24+$0x40] =	vst v24;
	v24 =	vadd.s32 s25, v8  }
0x9e: {  	v29 =	vadd.s32 s29, v9;
	v16 =	vld.idx.msk [tilespmem:v16+s21+$0x0], $0xffff;
	[tilespmem:s24+$0xC0] =	vst v20;
	v20 =	vadd.s32 v7, v24  }
0x9f: {  	v24 =	vadd.s32 v6, v29;
	v29 =	vadd.s32 s30, v9;
	v18 =	vld.idx.msk [tilespmem:v18+s21+$0x0], $0xffff;
	[tilespmem:s24+$0x140] =	vst v19  }
0xa0: {  	v19 =	vadd.s32 v6, v29;
	[tilespmem:s24+$0xFFFFFE40] =	vst v25;
	v25 =	vadd.s32 s31, v9;
	v26 =	vld.idx.msk [tilespmem:v26+s21+$0x0], $0xffff  }
0xa1: {  	v17 =	vld.idx.msk [tilespmem:v17+s21+$0x0], $0xffff;
	[tilespmem:s24+$0xFFFFFED0] =	vst v23;
	v23 =	vadd.s32 v6, v25;
	v25 =	vadd.s32 s1, v9  }
0xa2: {  	v29 =	vadd.s32 s0, v9;
	v28 =	vld.idx.msk [tilespmem:v28+s21+$0x0], $0xffff;
	v25 =	vadd.s32 v6, v25;
	[tilespmem:s24+$0x1E0] =	vst v21  }
0xa3: {  	v29 =	vadd.s32 v6, v29;
	v21 =	vadd.s32 s23, v9;
	[tilespmem:s24+$0xFFFFFF50] =	vst v27;
	v30 =	vld.idx.msk [tilespmem:v20+s21+$0x0], $0xffff  }
0xa4: {  	v20 =	vadd.s32 s26, v15;
	v31 =	vadd.s32 v6, v21;
	v32 =	vld.idx.msk [tilespmem:v24+s21+$0x0], $0xffff;
	[tilespmem:s24+$0xFFFFFFD0] =	vst v22  }
0xa5: {  	v22 =	vadd.s32 v0, v20;
	v20 =	vadd.s32 s28, v8;
	v21 =	vld.idx.msk [tilespmem:v19+s21+$0x0], $0xffff;
	[tilespmem:s24+$0x50] =	vst v16  }
0xa6: {  	v33 =	vadd.s32 v7, v20;
	v16 =	vadd.s32 s29, v8;
	v20 =	vld.idx.msk [tilespmem:v23+s21+$0x0], $0xffff;
	[tilespmem:s24+$0xD0] =	vst v18  }
.Ltmp0:
0xa7: {  	v27 =	vadd.s32 v7, v16;
	v16 =	vadd.s32 s30, v8;
	v18 =	vld.idx.msk [tilespmem:v25+s21+$0x0], $0xffff;
	[tilespmem:s24+$0x150] =	vst v26;
	(pc) =	sbr.rel @p1 .LBB2_3-.Ltmp0, $4  }
0xa8: {  	v24 =	vadd.s32 v7, v16;
	v16 =	vadd.s32 s31, v8;
	[tilespmem:s24+$0xFFFFFE50] =	vst v17;
	v19 =	vld.idx.msk [tilespmem:v29+s21+$0x0], $0xffff  }
0xa9: {  	v25 =	vadd.s32 s1, v8;
	v23 =	vadd.s32 v7, v16;
	v17 =	vld.idx.msk [tilespmem:v31+s21+$0x0], $0xffff;
	[tilespmem:s24+$0x1F0] =	vst v30  }
0xaa: {  	v26 =	vadd.s32 s0, v8;
	v25 =	vadd.s32 v7, v25;
	v16 =	vld.idx.msk [tilespmem:v22+s21+$0x0], $0xffff;
	[tilespmem:s24+$0xFFFFFEE0] =	vst v28  }
0xab: {  	s25 =	sadd.s32 $0x7, s26;
	v26 =	vadd.s32 v7, v26;
	v28 =	vadd.s32 s23, v8;
	s23 =	smov.u32 s26;
	s26 =	sadd.s32 $0x8, s26;
	v22 =	vld.idx.msk [tilespmem:v33+s21+$0x0], $0xffff;
	[tilespmem:s24+$0xFFFFFF60] =	vst v32  }
0xac: {  	_ =	sdelay $0x2  }
0xad: {  	[tilespmem:s24+$0xFFFFFFE0] =	vst v21;
	v38 =	vadd.s32 s25, v15  }
0xae: {  	s1 =	sadd.s32 $0x1, s23;
	v28 =	vadd.s32 v7, v28;
	v27 =	vld.idx.msk [tilespmem:v27+s21+$0x0], $0xffff;
	[tilespmem:s24+$0x60] =	vst v20;
	v48 =	vadd.s32 s25, v14;
	v60 =	vadd.s32 s23, v14  }
0xaf: {  	s26 =	sadd.s32 $0x2, s23;
	[tilespmem:s24+$0xE0] =	vst v18;
	s28 =	sadd.s32 $0x3, s23;
	s29 =	sadd.s32 $0x4, s23;
	v39 =	vadd.s32 s1, v15;
	v21 =	vadd.s32 v0, v38;
	v24 =	vld.idx.msk [tilespmem:v24+s21+$0x0], $0xffff;
	v50 =	vadd.s32 s1, v14  }
0xb0: {  	s30 =	sadd.s32 $0x5, s23;
	s31 =	sadd.s32 $0x6, s23;
	[tilespmem:s24+$0x160] =	vst v19;
	v51 =	vadd.s32 s26, v14;
	v52 =	vadd.s32 s28, v14;
	v54 =	vadd.s32 s29, v14  }
0xb1: {  	s0 =	sadd.s32 $0x400, s24;
	v23 =	vld.idx.msk [tilespmem:v23+s21+$0x0], $0xffff;
	v56 =	vadd.s32 s30, v14;
	v59 =	vadd.s32 s31, v14;
	v14 =	vadd.s32 v1, v60;
	[tilespmem:s24+$0xFFFFFE60] =	vst v17  }
0xb2: {  	v41 =	vadd.s32 s26, v15;
	v25 =	vld.idx.msk [tilespmem:v25+s21+$0x0], $0xffff;
	v40 =	vadd.s32 v0, v39;
	[tilespmem:s0+$0xFFFFFE00] =	vst v16  }
0xb3: {  	v43 =	vadd.s32 s28, v15;
	v42 =	vadd.s32 v0, v41;
	v26 =	vld.idx.msk [tilespmem:v26+s21+$0x0], $0xffff;
	[tilespmem:s24+$0xFFFFFEF0] =	vst v22  }
0xb4: {  	v45 =	vadd.s32 s29, v15;
	v44 =	vadd.s32 v0, v43;
	v28 =	vld.idx.msk [tilespmem:v28+s21+$0x0], $0xffff;
	[tilespmem:s24+$0xFFFFFF70] =	vst v27  }
0xb5: {  	v47 =	vadd.s32 s31, v15;
	v20 =	vadd.s32 v0, v45;
	v21 =	vld.idx.msk [tilespmem:v21+s21+$0x0], $0xffff;
	[tilespmem:s24+$0xFFFFFFF0] =	vst v24  }
0xb6: {  	v46 =	vadd.s32 s30, v15;
	v15 =	vadd.s32 v0, v47;
	[tilespmem:s24+$0x70] =	vst v23;
	v14 =	vld.idx.msk [tilespmem:v14+s21+$0x0], $0xffff  }
0xb7: {  	v22 =	vadd.s32 v0, v46;
	[tilespmem:s24+$0xF0] =	vst v25;
	v18 =	vld.idx.msk [tilespmem:v40+s21+$0x0], $0xffff  }
0xb8: {  	v49 =	vadd.s32 v1, v48;
	v19 =	vld.idx.msk [tilespmem:v42+s21+$0x0], $0xffff;
	[tilespmem:s24+$0x170] =	vst v26  }
0xb9: {  	v24 =	vadd.s32 v1, v50;
	v17 =	vld.idx.msk [tilespmem:v44+s21+$0x0], $0xffff;
	[tilespmem:s24+$0xFFFFFE70] =	vst v28  }
0xba: {  	v25 =	vadd.s32 v1, v51;
	v20 =	vld.idx.msk [tilespmem:v20+s21+$0x0], $0xffff;
	[tilespmem:s0+$0x180] =	vst v21  }
0xbb: {  	v58 =	vadd.s32 s25, v13;
	v36 =	vadd.s32 s23, v13;
	v53 =	vadd.s32 v1, v52;
	v15 =	vld.idx.msk [tilespmem:v15+s21+$0x0], $0xffff;
	[tilespmem:s0+$0xFFFFFE10] =	vst v14  }
0xbc: {  	v62 =	vadd.s32 s1, v13;
	v29 =	vadd.s32 s28, v13;
	v55 =	vadd.s32 v1, v54;
	v22 =	vld.idx.msk [tilespmem:v22+s21+$0x0], $0xffff;
	[tilespmem:s0+$0xFFFFFE80] =	vst v18  }
0xbd: {  	v31 =	vadd.s32 s29, v13;
	v34 =	vadd.s32 s30, v13;
	v57 =	vadd.s32 v1, v56;
	v23 =	vld.idx.msk [tilespmem:v49+s21+$0x0], $0xffff;
	[tilespmem:s0+$0xFFFFFF00] =	vst v19  }
0xbe: {  	v35 =	vadd.s32 s31, v13;
	v28 =	vadd.s32 s26, v13;
	v13 =	vadd.s32 v2, v36;
	[tilespmem:s0+$0xFFFFFF80] =	vst v17;
	v24 =	vld.idx.msk [tilespmem:v24+s21+$0x0], $0xffff  }
0xbf: {  	[tilespmem:s0+$0x0] =	vst v20;
	v17 =	vadd.s32 v1, v59;
	v61 =	vld.idx.msk [tilespmem:v25+s21+$0x0], $0xffff  }
0xc0: {  	v26 =	vadd.s32 v2, v58;
	[tilespmem:s0+$0x100] =	vst v15;
	v21 =	vld.idx.msk [tilespmem:v53+s21+$0x0], $0xffff  }
0xc1: {  	v63 =	vadd.s32 v2, v62;
	v18 =	vld.idx.msk [tilespmem:v55+s21+$0x0], $0xffff;
	[tilespmem:s0+$0x80] =	vst v22  }
0xc2: {  	v33 =	vadd.s32 s25, v12;
	v38 =	vadd.s32 s1, v12;
	v22 =	vadd.s32 v2, v28;
	v19 =	vld.idx.msk [tilespmem:v57+s21+$0x0], $0xffff;
	[tilespmem:s0+$0x190] =	vst v23  }
0xc3: {  	v48 =	vadd.s32 s31, v12;
	v30 =	vadd.s32 v2, v29;
	v39 =	vadd.s32 s26, v12;
	v13 =	vld.idx.msk [tilespmem:v13+s21+$0x0], $0xffff;
	[tilespmem:s0+$0xFFFFFE90] =	vst v24  }
0xc4: {  	v41 =	vadd.s32 s28, v12;
	v20 =	vadd.s32 v2, v34;
	v49 =	vadd.s32 s23, v12;
	v17 =	vld.idx.msk [tilespmem:v17+s21+$0x0], $0xffff;
	[tilespmem:s0+$0xFFFFFF10] =	vst v61  }
0xc5: {  	v45 =	vadd.s32 s29, v12;
	v46 =	vadd.s32 s30, v12;
	v12 =	vadd.s32 v3, v49;
	v32 =	vld.idx.msk [tilespmem:v26+s21+$0x0], $0xffff;
	[tilespmem:s0+$0xFFFFFF90] =	vst v21  }
0xc6: {  	v23 =	vadd.s32 v2, v31;
	[tilespmem:s0+$0x10] =	vst v18;
	v15 =	vld.idx.msk [tilespmem:v63+s21+$0x0], $0xffff  }
0xc7: {  	v21 =	vadd.s32 v2, v35;
	v37 =	vld.idx.msk [tilespmem:v22+s21+$0x0], $0xffff;
	[tilespmem:s0+$0x90] =	vst v19  }
0xc8: {  	v24 =	vadd.s32 v3, v33;
	v16 =	vld.idx.msk [tilespmem:v30+s21+$0x0], $0xffff;
	[tilespmem:s0+$0xFFFFFE20] =	vst v13  }
0xc9: {  	v19 =	vadd.s32 v3, v38;
	v42 =	vld.idx.msk [tilespmem:v20+s21+$0x0], $0xffff;
	[tilespmem:s0+$0x110] =	vst v17  }
0xca: {  	v52 =	vadd.s32 s26, v11;
	v56 =	vadd.s32 s29, v11;
	v40 =	vadd.s32 v3, v39;
	v12 =	vld.idx.msk [tilespmem:v12+s21+$0x0], $0xffff;
	[tilespmem:s0+$0x1A0] =	vst v32  }
0xcb: {  	v43 =	vadd.s32 v3, v41;
	v50 =	vadd.s32 s1, v11;
	v44 =	vadd.s32 s25, v11;
	v23 =	vld.idx.msk [tilespmem:v23+s21+$0x0], $0xffff;
	[tilespmem:s0+$0xFFFFFEA0] =	vst v15  }
0xcc: {  	v58 =	vadd.s32 s31, v11;
	v59 =	vadd.s32 s23, v11;
	v18 =	vadd.s32 v3, v46;
	v21 =	vld.idx.msk [tilespmem:v21+s21+$0x0], $0xffff;
	[tilespmem:s0+$0xFFFFFF20] =	vst v37  }
0xcd: {  	v55 =	vadd.s32 s28, v11;
	v57 =	vadd.s32 s30, v11;
	v11 =	vadd.s32 v4, v59;
	v24 =	vld.idx.msk [tilespmem:v24+s21+$0x0], $0xffff;
	[tilespmem:s0+$0xFFFFFFA0] =	vst v16  }
0xce: {  	v15 =	vadd.s32 v3, v45;
	v47 =	vld.idx.msk [tilespmem:v19+s21+$0x0], $0xffff;
	[tilespmem:s0+$0xA0] =	vst v42  }
0xcf: {  	v22 =	vadd.s32 v4, v44;
	v17 =	vld.idx.msk [tilespmem:v40+s21+$0x0], $0xffff;
	[tilespmem:s0+$0xFFFFFE30] =	vst v12  }
0xd0: {  	v19 =	vadd.s32 v3, v48;
	v20 =	vld.idx.msk [tilespmem:v43+s21+$0x0], $0xffff;
	[tilespmem:s0+$0x20] =	vst v23  }
0xd1: {  	v60 =	vadd.s32 s1, v10;
	v54 =	vadd.s32 s25, v10;
	v51 =	vadd.s32 v4, v50;
	v18 =	vld.idx.msk [tilespmem:v18+s21+$0x0], $0xffff;
	[tilespmem:s0+$0x120] =	vst v21  }
0xd2: {  	v62 =	vadd.s32 s26, v10;
	v29 =	vadd.s32 s23, v10;
	v53 =	vadd.s32 v4, v52;
	v11 =	vld.idx.msk [tilespmem:v11+s21+$0x0], $0xffff;
	[tilespmem:s0+$0x1B0] =	vst v24  }
0xd3: {  	v27 =	vadd.s32 s30, v10;
	v28 =	vadd.s32 s31, v10;
	v13 =	vadd.s32 v4, v55;
	v15 =	vld.idx.msk [tilespmem:v15+s21+$0x0], $0xffff;
	[tilespmem:s0+$0xFFFFFEB0] =	vst v47  }
0xd4: {  	v26 =	vadd.s32 s29, v10;
	v24 =	vadd.s32 s28, v10;
	v10 =	vadd.s32 v5, v29;
	v22 =	vld.idx.msk [tilespmem:v22+s21+$0x0], $0xffff;
	[tilespmem:s0+$0xFFFFFF30] =	vst v17  }
0xd5: {  	v16 =	vadd.s32 v4, v56;
	v19 =	vld.idx.msk [tilespmem:v19+s21+$0x0], $0xffff;
	[tilespmem:s0+$0xFFFFFFB0] =	vst v20  }
0xd6: {  	v17 =	vadd.s32 v4, v57;
	v14 =	vld.idx.msk [tilespmem:v51+s21+$0x0], $0xffff;
	[tilespmem:s0+$0xB0] =	vst v18  }
0xd7: {  	v23 =	vadd.s32 v5, v54;
	v21 =	vld.idx.msk [tilespmem:v53+s21+$0x0], $0xffff;
	[tilespmem:s0+$0xFFFFFE40] =	vst v11  }
0xd8: {  	v20 =	vadd.s32 v4, v58;
	v13 =	vld.idx.msk [tilespmem:v13+s21+$0x0], $0xffff;
	[tilespmem:s0+$0x30] =	vst v15  }
0xd9: {  	v41 =	vadd.s32 s31, v9;
	v39 =	vadd.s32 s30, v9;
	v63 =	vadd.s32 v5, v62;
	v10 =	vld.idx.msk [tilespmem:v10+s21+$0x0], $0xffff;
	[tilespmem:s0+$0x1C0] =	vst v22  }
0xda: {  	v61 =	vadd.s32 s25, v9;
	v33 =	vadd.s32 s26, v9;
	v25 =	vadd.s32 v5, v24;
	[tilespmem:s0+$0x130] =	vst v19;
	v16 =	vld.idx.msk [tilespmem:v16+s21+$0x0], $0xffff  }
0xdb: {  	v35 =	vadd.s32 s28, v9;
	v43 =	vadd.s32 s23, v9;
	v15 =	vadd.s32 v5, v60;
	v17 =	vld.idx.msk [tilespmem:v17+s21+$0x0], $0xffff;
	[tilespmem:s0+$0xFFFFFEC0] =	vst v14  }
0xdc: {  	v32 =	vadd.s32 s1, v9;
	v37 =	vadd.s32 s29, v9;
	v9 =	vadd.s32 v6, v43;
	v22 =	vld.idx.msk [tilespmem:v23+s21+$0x0], $0xffff;
	[tilespmem:s0+$0xFFFFFF40] =	vst v21  }
0xdd: {  	v19 =	vadd.s32 v5, v26;
	v20 =	vld.idx.msk [tilespmem:v20+s21+$0x0], $0xffff;
	[tilespmem:s0+$0xFFFFFFC0] =	vst v13  }
0xde: {  	v21 =	vadd.s32 v5, v27;
	v12 =	vld.idx.msk [tilespmem:v63+s21+$0x0], $0xffff;
	[tilespmem:s0+$0xFFFFFE50] =	vst v10  }
0xdf: {  	v18 =	vadd.s32 v6, v61;
	v14 =	vld.idx.msk [tilespmem:v25+s21+$0x0], $0xffff;
	[tilespmem:s0+$0x40] =	vst v16  }
0xe0: {  	v49 =	vadd.s32 s28, v8;
	v52 =	vadd.s32 s29, v8;
	v30 =	vadd.s32 v5, v28;
	v15 =	vld.idx.msk [tilespmem:v15+s21+$0x0], $0xffff;
	[tilespmem:s0+$0xC0] =	vst v17  }
0xe1: {  	v31 =	vadd.s32 s25, v8;
	v46 =	vadd.s32 s26, v8;
	v34 =	vadd.s32 v6, v33;
	v9 =	vld.idx.msk [tilespmem:v9+s21+$0x0], $0xffff;
	[tilespmem:s0+$0x1D0] =	vst v22  }
0xe2: {  	v36 =	vadd.s32 v6, v35;
	v55 =	vadd.s32 s30, v8;
	v45 =	vadd.s32 s1, v8;
	[tilespmem:s0+$0x140] =	vst v20;
	v19 =	vld.idx.msk [tilespmem:v19+s21+$0x0], $0xffff  }
0xe3: {  	v57 =	vadd.s32 s31, v8;
	v8 =	vadd.s32 s23, v8;
	v17 =	vadd.s32 v6, v32;
	v21 =	vld.idx.msk [tilespmem:v21+s21+$0x0], $0xffff;
	[tilespmem:s0+$0xFFFFFF50] =	vst v12  }
0xe4: {  	v8 =	vadd.s32 v7, v8;
	v18 =	vld.idx.msk [tilespmem:v18+s21+$0x0], $0xffff;
	[tilespmem:s0+$0xFFFFFFD0] =	vst v14  }
0xe5: {  	v38 =	vadd.s32 v6, v37;
	v13 =	vld.idx.msk [tilespmem:v30+s21+$0x0], $0xffff;
	[tilespmem:s0+$0xFFFFFED0] =	vst v15  }
0xe6: {  	v40 =	vadd.s32 v6, v39;
	v11 =	vld.idx.msk [tilespmem:v34+s21+$0x0], $0xffff;
	[tilespmem:s0+$0xFFFFFE60] =	vst v9  }
0xe7: {  	v16 =	vadd.s32 v7, v31;
	v15 =	vld.idx.msk [tilespmem:v36+s21+$0x0], $0xffff;
	[tilespmem:s0+$0x50] =	vst v19  }
0xe8: {  	v44 =	vadd.s32 v6, v41;
	v42 =	vld.idx.msk [tilespmem:v17+s21+$0x0], $0xffff;
	[tilespmem:s0+$0xD0] =	vst v21  }
0xe9: {  	v48 =	vadd.s32 v7, v46;
	v8 =	vld.idx.msk [tilespmem:v8+s21+$0x0], $0xffff;
	[tilespmem:s0+$0x1E0] =	vst v18  }
0xea: {  	v51 =	vadd.s32 v7, v49;
	[tilespmem:s0+$0x150] =	vst v13;
	v47 =	vld.idx.msk [tilespmem:v38+s21+$0x0], $0xffff  }
0xeb: {  	v19 =	vadd.s32 v7, v45;
	v50 =	vld.idx.msk [tilespmem:v40+s21+$0x0], $0xffff;
	[tilespmem:s0+$0xFFFFFF60] =	vst v11  }
0xec: {  	v54 =	vadd.s32 v7, v52;
	v16 =	vld.idx.msk [tilespmem:v16+s21+$0x0], $0xffff;
	[tilespmem:s0+$0xFFFFFFE0] =	vst v15  }
0xed: {  	v56 =	vadd.s32 v7, v55;
	v53 =	vld.idx.msk [tilespmem:v44+s21+$0x0], $0xffff;
	[tilespmem:s0+$0xFFFFFEE0] =	vst v42  }
0xee: {  	v59 =	vadd.s32 v7, v57;
	v60 =	vld.idx.msk [tilespmem:v48+s21+$0x0], $0xffff;
	[tilespmem:s0+$0xFFFFFE70] =	vst v8  }
0xef: {  	v12 =	vld.idx.msk [tilespmem:v51+s21+$0x0], $0xffff;
	[tilespmem:s0+$0x60] =	vst v47  }
0xf0: {  	v58 =	vld.idx.msk [tilespmem:v19+s21+$0x0], $0xffff;
	[tilespmem:s0+$0xE0] =	vst v50  }
0xf1: {  	[tilespmem:s0+$0x1F0] =	vst v16;
	v61 =	vld.idx.msk [tilespmem:v54+s21+$0x0], $0xffff  }
0xf2: {  	[tilespmem:s0+$0x160] =	vst v53;
	v62 =	vld.idx.msk [tilespmem:v56+s21+$0x0], $0xffff  }
0xf3: {  	s29 =	sadd.s32 s5, s19;
	s19 =	sadd.s32 $0x1, s19;
	v63 =	vld.idx.msk [tilespmem:v59+s21+$0x0], $0xffff;
	[tilespmem:s0+$0xFFFFFF70] =	vst v60  }
0xf4: {  	p1 =	sne.s32 s19, $0xC8;
	[tilespmem:s0+$0xFFFFFFF0] =	vst v12  }
.Ltmp1:
0xf5: {  	s30 =	sshll.u32 s29, $0x7;
	[tilespmem:s0+$0xFFFFFEF0] =	vst v58;
	(pc) =	sbr.rel @p1 .LBB2_2-.Ltmp1, $4  }
0xf6: {  	s1 =	sshll.u32 s29, $0xA;
	s21 =	sand.u32 $0x3F80, s30;
	[tilespmem:s0+$0x70] =	vst v61  }
0xf7: {  	s1 =	sand.u32 $0xFFE0000, s1;
	s21 =	sadd.s32 s2, s21;
	[tilespmem:s0+$0xF0] =	vst v62  }
0xf8: {  	p0 =	por !p0, !p0;
	s31 =	sadd.s32 $0x3, s20;
	s1 =	sadd.s32 s1, s21;
	[tilespmem:s0+$0x170] =	vst v63  }
0xf9: {  	[hbm4b:s1+s14] =	stream.strided.scatter [tilespmem:s22], [sflag:s31], $0x2000, s15, s14, $0x38;
	[tilespmem:$0x1C800] =	vst v63  }
0xfa: {  	s18 =	sadd.s32 $0x1, s18  }
0xfb: {  	_ =	swait.ge [sflag:s16], $0x2000;
	p0 =	sne.s32 s18, s8  }
.Ltmp2:
0xfc: {  	[sflag:s16] =	ssyncset.done $0x0;
	(pc) =	sbr.rel @p0 .LBB2_1-.Ltmp2, $4  }
0xfd: {  	[sflag:s16] =	ssyncadd.s32 $0xFFFFE000  }
0xfe: {  	_ =	swait.ge [sflag:s17], $0x2000  }
0xff: {  	[sflag:s17] =	ssyncset.done $0x0  }
0x100: {  	[sflag:s17] =	ssyncadd.s32 $0xFFFFE000  }
0x101: {  	_ =	sfence.sel $0x180000  }
0x102: {  	[bflag:$0x0] =	sbarrier.arrive $0xFFFF  }
0x103: {  	_ =	strace $0x90000047  }
0x104: {  	s0 =	stileid.u32;
	[bflag:$0x2] =	sbarrier.arrive $0xFFFF  }
0x105: {  	p0 =	sne.s32 s0, $0x0;
	s0 =	rddreg [dreg:$0x2]  }
0x106: {  	s0 =	sadd.s32 @!p0 $0x100000, s0  }
0x107: {  	[sflag:s0] =	ssyncadd.tile.s32 @!p0 $0x1;
	_ =	shalt  }
.Lfunc_end2:
_tile_overlayer_lowered:
.L_overlay_start_2:
0x108: {  	(tag) =	ssettag $0x2  }
0x109: {  	s0 =	rddreg [dreg:$0x0];
	s2 =	stileid.u32  }
0x10a: {  	s1 =	rddreg [dreg:$0x1];
	p0 =	sne.s32 s2, $0x0  }
0x10b: {  	s3 =	rddreg [dreg:$0x2];
	[bflag:$0x3] =	sbarrier.arrive $0xFFFF;
	s2 =	simm.s32 @!p0 $0x1C05  }
0x10c: {  	[timem:s3], [sflag:s2] =	dma.local @!p0 [hbm:s0], s1  }
0x10d: {  	s0 =	simm.s32 @!p0 $0x5  }
0x10e: {  	_ =	swait.ge @!p0 [sflag:s0], s1  }
0x10f: {  	s1 =	ssub.s32 @!p0 $0x0, s1;
	[sflag:s0] =	ssyncset.done @!p0 $0x0  }
0x110: {  	[sflag:s0] =	ssyncadd.s32 @!p0 s1  }
0x111: {  	[bflag:$0x3] =	sbarrier.arrive $0xFFFF  }
0x112: {  	_ =	shalt  }

</sc_bundles>
